<compile_context>
chip_gen: v7x
topology: tpu7x:2x2x1
jax: 0.10.2.dev20260603
libtpu: 0.0.44.dev20260713+nightly
codegen_flags: <defaults>
</compile_context>

<pallas_src>
import functools

import jax
import jax.numpy as jnp
from jax import lax
from jax.experimental import pallas as pl
from jax.experimental.pallas import tpu as pltpu
from jax.experimental.pallas import tpu_sc as plsc

F_IN = 128
N_HEADS = 4
N_NODES = 10000
N_EDGES = 320000

NUM_CORES = 2
NUM_SUBCORES = 16
NUM_WORKERS = NUM_CORES * NUM_SUBCORES
LANES = 16

TW = 2 * N_HEADS
PW = N_HEADS
BLK_E = 128
NODE_BLOCKS = 80
NPAD = NODE_BLOCKS * BLK_E
TBL_W = PW * NPAD
N_BLOCKS = N_EDGES // BLK_E
BLK_W = BLK_E * N_HEADS
BPW = 80
HI_MASK = -65536


def _node_projection(x, a):

    def body(x_ref, a_ref, y_ref):
        yt = lax.dot_general(a_ref[...], x_ref[...],
                             (((1,), (1,)), ((), ())),
                             preferred_element_type=jnp.float32)
        u = lax.bitcast_convert_type(yt.astype(jnp.bfloat16),
                                     jnp.uint16).astype(jnp.uint32)
        packed = u[:PW] | (u[PW:] << 16)
        y_ref[...] = lax.bitcast_convert_type(
            packed, jnp.int32).reshape(PW, -1, BLK_E)

    nb_step = 16
    m_blk = nb_step * BLK_E
    return pl.pallas_call(
        body,
        grid=(NODE_BLOCKS // nb_step,),
        in_specs=[pl.BlockSpec((m_blk, F_IN), lambda i: (i, 0)),
                  pl.BlockSpec((TW, F_IN), lambda i: (0, 0))],
        out_specs=pl.BlockSpec((PW, nb_step, BLK_E), lambda i: (0, i, 0)),
        out_shape=jax.ShapeDtypeStruct((PW, NODE_BLOCKS, BLK_E), jnp.int32),
    )(x, a)


def _make_edge_lift():
    mesh = plsc.VectorSubcoreMesh(core_axis_name="c", subcore_axis_name="s")

    @functools.partial(
        pl.kernel,
        out_type=jax.ShapeDtypeStruct((N_EDGES * N_HEADS,), jnp.float32),
        mesh=mesh,
        compiler_params=pltpu.CompilerParams(needs_layout_passes=False),
        scratch_types=[
            pltpu.VMEM((TBL_W,), jnp.int32),
            pltpu.VMEM((BPW * BLK_E,), jnp.int32),
            pltpu.VMEM((BPW * BLK_E,), jnp.int32),
            pltpu.VMEM((BPW * BLK_W,), jnp.float32),
            pltpu.SemaphoreType.DMA,
        ],
    )
    def edge_lift(y_hbm, ei_hbm, out_hbm, table_v, src_v, dst_v, out_v, sem):
        wid = lax.axis_index("s") * NUM_CORES + lax.axis_index("c")
        pltpu.sync_copy(y_hbm, table_v)

        def unpack(w):
            lo = plsc.bitcast(lax.shift_left(w, 16), jnp.float32)
            hi = plsc.bitcast(lax.bitwise_and(w, HI_MASK), jnp.float32)
            return lo, hi

        def load_ids(wb, n_blocks):
            ne = n_blocks * BLK_E
            pltpu.sync_copy(ei_hbm.at[0, pl.ds(wb * BLK_E, ne)],
                            src_v.at[pl.ds(0, ne)])
            pltpu.sync_copy(ei_hbm.at[1, pl.ds(wb * BLK_E, ne)],
                            dst_v.at[pl.ds(0, ne)])

        def gather_groups(g_lo, g_hi):
            @plsc.parallel_loop(g_lo, g_hi, unroll=16)
            def group(g):
                blk = lax.shift_right_logical(g, 3)
                off = lax.shift_left(lax.bitwise_and(g, 7), 4)
                s = src_v[pl.ds(g * LANES, LANES)]
                d = dst_v[pl.ds(g * LANES, LANES)]
                base = lax.shift_left(blk, 9) + off
                s01, s23, d01, d23 = (
                    plsc.load_gather(table_v.at[pl.ds(p * NPAD, NPAD)], [i])
                    for p, i in ((0, s), (1, s), (2, d), (3, d)))
                h0, h1 = unpack(s01)
                h2, h3 = unpack(s23)
                g0, g1 = unpack(d01)
                g2, g3 = unpack(d23)
                for k, (hv, gv) in enumerate(
                        ((h0, g0), (h1, g1), (h2, g2), (h3, g3))):
                    out_v[pl.ds(base + k * BLK_E, LANES)] = \
                        jnp.maximum(hv + gv, 0.0)

        def store_out(b_lo, b_hi, wb):
            nw = (b_hi - b_lo) * BLK_W
            return pltpu.async_copy(
                out_v.at[pl.ds(b_lo * BLK_W, nw)],
                out_hbm.at[pl.ds((wb + b_lo) * BLK_W, nw)], sem)

        wb = lax.div(wid * (N_BLOCKS - BPW), NUM_WORKERS - 1)
        half = BPW // 2
        load_ids(wb, BPW)
        gather_groups(0, half * (BLK_E // LANES))
        c1 = store_out(0, half, wb)
        gather_groups(half * (BLK_E // LANES), BPW * (BLK_E // LANES))
        c2 = store_out(half, BPW, wb)
        c1.wait()
        c2.wait()

    return edge_lift


def kernel(x, edge_index, att):
    att2 = att[:, :, 0]
    att_s = att2[:, :F_IN]
    att_d = att2[:, F_IN:]
    a = jnp.concatenate([att_s[0::2], att_d[0::2],
                         att_s[1::2], att_d[1::2]], axis=0)
    y3 = _node_projection(x, a)
    out_flat = _make_edge_lift()(y3.reshape(-1), edge_index)
    return (out_flat.reshape(N_BLOCKS, N_HEADS, BLK_E)
            .transpose(0, 2, 1)
            .reshape(N_EDGES, N_HEADS))

# --- scband reference (transcript-rebuilt; emitter-appended) ---
"""Pipeline reference for scband-multi-head-lift-layer-2937757631158 (READ-ONLY COPY).

The authoritative reference and input builder live on the scoring server;
editing this copy changes nothing except your own understanding.
"""

import jax, jax.numpy as jnp
import numpy as np

F_IN = 128
K = 4
N_NODES = 10000
N_EDGES = 320000


def setup_inputs(seed: int = 0) -> dict:
    key = jax.random.key(seed)
    k1, k2, k3 = jax.random.split(key, 3)
    x = jax.random.normal(k1, (N_NODES, F_IN), dtype=jnp.float32)
    edge_index = jax.random.randint(k2, (2, N_EDGES), 0, N_NODES, dtype=jnp.int32)
    # Xavier uniform init with relu gain for each head's att parameter (2*F_in, 1)
    gain = np.sqrt(2.0)
    bound = gain * np.sqrt(6.0 / (2 * F_IN + 1))
    att = jax.random.uniform(k3, (K, 2 * F_IN, 1), minval=-bound, maxval=bound, dtype=jnp.float32)
    return {"x": x, "edge_index": edge_index, "att": att}


def reference(x, edge_index, att):
    # MultiHeadLiftLayer forward with readout='cat', dropout=0.0 (identity)
    source = edge_index[0]
    target = edge_index[1]
    # gather node features for src/dst of every edge -> memory-bound gathers
    node_features_stacked = jnp.concatenate((x[source], x[target]), axis=1)  # [E, 2*F_in]
    heads = []
    for k in range(att.shape[0]):
        edge_signal = jax.nn.relu(node_features_stacked @ att[k])  # [E, 1]
        heads.append(edge_signal)
    Xe = jnp.concatenate(heads, axis=1)  # [E, K]
    return Xe

if __name__ == "__main__":
    import jax
    _d = setup_inputs()
    print(jax.jit(kernel)(*tuple(_d.values())))

</pallas_src>

<mosaic_0001>
#map = affine_map<(d0, d1) -> (0)>
#map1 = affine_map<(d0, d1) -> (0, 0)>
module attributes {stable_mosaic.version = 14 : i64} {
  func.func @edge_lift(%arg0: i32, %arg1: i32, %arg2: memref<40960xi32, #tpu.memory_space<hbm>>, %arg3: memref<2x320000xi32, #tpu.memory_space<hbm>>, %arg4: memref<1280000xf32, #tpu.memory_space<hbm>>, %arg5: memref<40960xi32, #tpu.memory_space<vmem>>, %arg6: memref<10240xi32, #tpu.memory_space<vmem>>, %arg7: memref<10240xi32, #tpu.memory_space<vmem>>, %arg8: memref<40960xf32, #tpu.memory_space<vmem>>, %arg9: memref<!tpu.dma_semaphore, #tpu.memory_space<semaphore_mem>>) attributes {dimension_semantics = [#tpu.dimension_semantics<core_parallel>, #tpu.dimension_semantics<subcore_parallel>], iteration_bounds = array<i64: 2, 16>, scalar_prefetch = 0 : i64, scratch_operands = 5 : i64, tpu.core_type = #tpu.core_type<sc_vector_subcore>, window_params = [{transform_indices = #map}, {transform_indices = #map1}, {transform_indices = #map}]} {
    %mul3A = arith.constant 2 : i32
    %mul3A_0 = arith.muli %arg1, %mul3A : i32
    %add3A = arith.addi %mul3A_0, %arg0 : i32
    "tpu.region"() ({
      %run_scoped3A_44 = tpu.sem_alloc : memref<!tpu.dma_semaphore, #tpu.memory_space<semaphore_mem>>
      tpu.enqueue_dma source(%arg2 : memref<40960xi32, #tpu.memory_space<hbm>>) target(%arg5 : memref<40960xi32, #tpu.memory_space<vmem>>) target_semaphore(%run_scoped3A_44 : memref<!tpu.dma_semaphore, #tpu.memory_space<semaphore_mem>>)
      tpu.wait_dma2 semaphore(%run_scoped3A_44 : memref<!tpu.dma_semaphore, #tpu.memory_space<semaphore_mem>>) src(%arg2 : memref<40960xi32, #tpu.memory_space<hbm>>) dst(%arg5 : memref<40960xi32, #tpu.memory_space<vmem>>)
      tpu.yield
    }) : () -> ()
    %mul3A_1 = arith.constant 2420 : i32
    %mul3A_2 = arith.muli %add3A, %mul3A_1 : i32
    %div3A = arith.constant 31 : i32
    %div3A_3 = arith.divsi %mul3A_2, %div3A : i32
    %mul3A_4 = arith.constant 128 : i32
    %mul3A_5 = arith.muli %div3A_3, %mul3A_4 : i32
    %run_scoped3A = arith.constant 0 : i32
    "tpu.region"() ({
      %run_scoped3A_44 = tpu.sem_alloc : memref<!tpu.dma_semaphore, #tpu.memory_space<semaphore_mem>>
      %dma_start3A_45 = arith.constant 0 : i32
      %dma_start3A_46 = tpu.memref_slice %arg6[%dma_start3A_45] : memref<10240xi32, #tpu.memory_space<vmem>> -> memref<10240xi32, #tpu.memory_space<vmem>>
      %dma_start3A_47 = tpu.memref_slice %arg3[%run_scoped3A, %mul3A_5] : memref<2x320000xi32, #tpu.memory_space<hbm>> -> memref<1x10240xi32, #tpu.memory_space<hbm>>
      %dma_start3A_48 = tpu.memref_squeeze %dma_start3A_47 : memref<1x10240xi32, #tpu.memory_space<hbm>> -> memref<10240xi32, #tpu.memory_space<hbm>>
      %dma_start3A_49 = arith.constant 0 : i32
      %dma_start3A_50 = tpu.memref_slice %arg6[%dma_start3A_49] : memref<10240xi32, #tpu.memory_space<vmem>> -> memref<10240xi32, #tpu.memory_space<vmem>>
      %dma_start3A_51 = tpu.memref_slice %arg3[%run_scoped3A, %mul3A_5] : memref<2x320000xi32, #tpu.memory_space<hbm>> -> memref<1x10240xi32, #tpu.memory_space<hbm>>
      %dma_start3A_52 = tpu.memref_squeeze %dma_start3A_51 : memref<1x10240xi32, #tpu.memory_space<hbm>> -> memref<10240xi32, #tpu.memory_space<hbm>>
      tpu.enqueue_dma source(%dma_start3A_52 : memref<10240xi32, #tpu.memory_space<hbm>>) target(%dma_start3A_50 : memref<10240xi32, #tpu.memory_space<vmem>>) target_semaphore(%run_scoped3A_44 : memref<!tpu.dma_semaphore, #tpu.memory_space<semaphore_mem>>)
      %dma_wait3A_53 = arith.constant 0 : i32
      %dma_wait3A_54 = tpu.memref_slice %arg6[%dma_wait3A_53] : memref<10240xi32, #tpu.memory_space<vmem>> -> memref<10240xi32, #tpu.memory_space<vmem>>
      %dma_wait3A_55 = tpu.memref_slice %arg3[%run_scoped3A, %mul3A_5] : memref<2x320000xi32, #tpu.memory_space<hbm>> -> memref<1x10240xi32, #tpu.memory_space<hbm>>
      %dma_wait3A_56 = tpu.memref_squeeze %dma_wait3A_55 : memref<1x10240xi32, #tpu.memory_space<hbm>> -> memref<10240xi32, #tpu.memory_space<hbm>>
      %dma_wait3A_57 = arith.constant 0 : i32
      %dma_wait3A_58 = tpu.memref_slice %arg6[%dma_wait3A_57] : memref<10240xi32, #tpu.memory_space<vmem>> -> memref<10240xi32, #tpu.memory_space<vmem>>
      %dma_wait3A_59 = tpu.memref_slice %arg3[%run_scoped3A, %mul3A_5] : memref<2x320000xi32, #tpu.memory_space<hbm>> -> memref<1x10240xi32, #tpu.memory_space<hbm>>
      %dma_wait3A_60 = tpu.memref_squeeze %dma_wait3A_59 : memref<1x10240xi32, #tpu.memory_space<hbm>> -> memref<10240xi32, #tpu.memory_space<hbm>>
      tpu.wait_dma2 semaphore(%run_scoped3A_44 : memref<!tpu.dma_semaphore, #tpu.memory_space<semaphore_mem>>) src(%dma_wait3A_60 : memref<10240xi32, #tpu.memory_space<hbm>>) dst(%dma_wait3A_58 : memref<10240xi32, #tpu.memory_space<vmem>>)
      tpu.yield
    }) : () -> ()
    %mul3A_6 = arith.constant 128 : i32
    %mul3A_7 = arith.muli %div3A_3, %mul3A_6 : i32
    %run_scoped3A_8 = arith.constant 1 : i32
    "tpu.region"() ({
      %run_scoped3A_44 = tpu.sem_alloc : memref<!tpu.dma_semaphore, #tpu.memory_space<semaphore_mem>>
      %dma_start3A_45 = arith.constant 0 : i32
      %dma_start3A_46 = tpu.memref_slice %arg7[%dma_start3A_45] : memref<10240xi32, #tpu.memory_space<vmem>> -> memref<10240xi32, #tpu.memory_space<vmem>>
      %dma_start3A_47 = tpu.memref_slice %arg3[%run_scoped3A_8, %mul3A_7] : memref<2x320000xi32, #tpu.memory_space<hbm>> -> memref<1x10240xi32, #tpu.memory_space<hbm>>
      %dma_start3A_48 = tpu.memref_squeeze %dma_start3A_47 : memref<1x10240xi32, #tpu.memory_space<hbm>> -> memref<10240xi32, #tpu.memory_space<hbm>>
      %dma_start3A_49 = arith.constant 0 : i32
      %dma_start3A_50 = tpu.memref_slice %arg7[%dma_start3A_49] : memref<10240xi32, #tpu.memory_space<vmem>> -> memref<10240xi32, #tpu.memory_space<vmem>>
      %dma_start3A_51 = tpu.memref_slice %arg3[%run_scoped3A_8, %mul3A_7] : memref<2x320000xi32, #tpu.memory_space<hbm>> -> memref<1x10240xi32, #tpu.memory_space<hbm>>
      %dma_start3A_52 = tpu.memref_squeeze %dma_start3A_51 : memref<1x10240xi32, #tpu.memory_space<hbm>> -> memref<10240xi32, #tpu.memory_space<hbm>>
      tpu.enqueue_dma source(%dma_start3A_52 : memref<10240xi32, #tpu.memory_space<hbm>>) target(%dma_start3A_50 : memref<10240xi32, #tpu.memory_space<vmem>>) target_semaphore(%run_scoped3A_44 : memref<!tpu.dma_semaphore, #tpu.memory_space<semaphore_mem>>)
      %dma_wait3A_53 = arith.constant 0 : i32
      %dma_wait3A_54 = tpu.memref_slice %arg7[%dma_wait3A_53] : memref<10240xi32, #tpu.memory_space<vmem>> -> memref<10240xi32, #tpu.memory_space<vmem>>
      %dma_wait3A_55 = tpu.memref_slice %arg3[%run_scoped3A_8, %mul3A_7] : memref<2x320000xi32, #tpu.memory_space<hbm>> -> memref<1x10240xi32, #tpu.memory_space<hbm>>
      %dma_wait3A_56 = tpu.memref_squeeze %dma_wait3A_55 : memref<1x10240xi32, #tpu.memory_space<hbm>> -> memref<10240xi32, #tpu.memory_space<hbm>>
      %dma_wait3A_57 = arith.constant 0 : i32
      %dma_wait3A_58 = tpu.memref_slice %arg7[%dma_wait3A_57] : memref<10240xi32, #tpu.memory_space<vmem>> -> memref<10240xi32, #tpu.memory_space<vmem>>
      %dma_wait3A_59 = tpu.memref_slice %arg3[%run_scoped3A_8, %mul3A_7] : memref<2x320000xi32, #tpu.memory_space<hbm>> -> memref<1x10240xi32, #tpu.memory_space<hbm>>
      %dma_wait3A_60 = tpu.memref_squeeze %dma_wait3A_59 : memref<1x10240xi32, #tpu.memory_space<hbm>> -> memref<10240xi32, #tpu.memory_space<hbm>>
      tpu.wait_dma2 semaphore(%run_scoped3A_44 : memref<!tpu.dma_semaphore, #tpu.memory_space<semaphore_mem>>) src(%dma_wait3A_60 : memref<10240xi32, #tpu.memory_space<hbm>>) dst(%dma_wait3A_58 : memref<10240xi32, #tpu.memory_space<vmem>>)
      tpu.yield
    }) : () -> ()
    %parallel_loop3A = arith.constant 0 : i32
    %parallel_loop3A_9 = arith.constant 320 : i32
    %parallel_loop3A_10 = arith.constant 1 : i32
    scf.for %parallel_loop3A_44 = %parallel_loop3A to %parallel_loop3A_9 step %parallel_loop3A_10  : i32 {
      %parallel_loop3A_45 = arith.constant 3 : i32
      %parallel_loop3A_46 = arith.shrui %parallel_loop3A_44, %parallel_loop3A_45 : i32
      %parallel_loop3A_47 = arith.constant 7 : i32
      %parallel_loop3A_48 = arith.andi %parallel_loop3A_44, %parallel_loop3A_47 : i32
      %parallel_loop3A_49 = arith.constant 4 : i32
      %parallel_loop3A_50 = arith.shli %parallel_loop3A_48, %parallel_loop3A_49 : i32
      %parallel_loop3A_51 = arith.constant 16 : i32
      %parallel_loop3A_52 = arith.muli %parallel_loop3A_44, %parallel_loop3A_51 : i32
      %parallel_loop3A_53 = arith.index_cast %parallel_loop3A_52 : i32 to index
      %parallel_loop3A_54 = tpu.vector_load %arg6[%parallel_loop3A_53] {strides = array<i32>} : memref<10240xi32, #tpu.memory_space<vmem>>, vector<16xi32>,
      %parallel_loop3A_55 = arith.constant 16 : i32
      %parallel_loop3A_56 = arith.muli %parallel_loop3A_44, %parallel_loop3A_55 : i32
      %parallel_loop3A_57 = arith.index_cast %parallel_loop3A_56 : i32 to index
      %parallel_loop3A_58 = tpu.vector_load %arg7[%parallel_loop3A_57] {strides = array<i32>} : memref<10240xi32, #tpu.memory_space<vmem>>, vector<16xi32>,
      %parallel_loop3A_59 = arith.constant 9 : i32
      %parallel_loop3A_60 = arith.shli %parallel_loop3A_46, %parallel_loop3A_59 : i32
      %parallel_loop3A_61 = arith.addi %parallel_loop3A_60, %parallel_loop3A_50 : i32
      %parallel_loop3A_62 = arith.constant 0 : i32
      %parallel_loop3A_63 = tpu.memref_slice %arg5[%parallel_loop3A_62] : memref<40960xi32, #tpu.memory_space<vmem>> -> memref<10240xi32, #tpu.memory_space<vmem>>
      %parallel_loop3A_64 = tpu.vector_load_idx %parallel_loop3A_63[%parallel_loop3A_54] : memref<10240xi32, #tpu.memory_space<vmem>>[vector<16xi32>], vector<16xi32>,
      %parallel_loop3A_65 = arith.constant 10240 : i32
      %parallel_loop3A_66 = tpu.memref_slice %arg5[%parallel_loop3A_65] : memref<40960xi32, #tpu.memory_space<vmem>> -> memref<10240xi32, #tpu.memory_space<vmem>>
      %parallel_loop3A_67 = tpu.vector_load_idx %parallel_loop3A_66[%parallel_loop3A_54] : memref<10240xi32, #tpu.memory_space<vmem>>[vector<16xi32>], vector<16xi32>,
      %parallel_loop3A_68 = arith.constant 20480 : i32
      %parallel_loop3A_69 = tpu.memref_slice %arg5[%parallel_loop3A_68] : memref<40960xi32, #tpu.memory_space<vmem>> -> memref<10240xi32, #tpu.memory_space<vmem>>
      %parallel_loop3A_70 = tpu.vector_load_idx %parallel_loop3A_69[%parallel_loop3A_58] : memref<10240xi32, #tpu.memory_space<vmem>>[vector<16xi32>], vector<16xi32>,
      %parallel_loop3A_71 = arith.constant 30720 : i32
      %parallel_loop3A_72 = tpu.memref_slice %arg5[%parallel_loop3A_71] : memref<40960xi32, #tpu.memory_space<vmem>> -> memref<10240xi32, #tpu.memory_space<vmem>>
      %parallel_loop3A_73 = tpu.vector_load_idx %parallel_loop3A_72[%parallel_loop3A_58] : memref<10240xi32, #tpu.memory_space<vmem>>[vector<16xi32>], vector<16xi32>,
      %parallel_loop3A_74 = arith.constant 16 : i32
      %parallel_loop3A_75 = vector.broadcast %parallel_loop3A_74 : i32 to vector<16xi32>
      %parallel_loop3A_76 = arith.shli %parallel_loop3A_64, %parallel_loop3A_75 : vector<16xi32>
      %parallel_loop3A_77 = vector.bitcast %parallel_loop3A_76 : vector<16xi32> to vector<16xf32>
      %parallel_loop3A_78 = arith.constant -65536 : i32
      %parallel_loop3A_79 = vector.broadcast %parallel_loop3A_78 : i32 to vector<16xi32>
      %parallel_loop3A_80 = arith.andi %parallel_loop3A_64, %parallel_loop3A_79 : vector<16xi32>
      %parallel_loop3A_81 = vector.bitcast %parallel_loop3A_80 : vector<16xi32> to vector<16xf32>
      %parallel_loop3A_82 = arith.constant 16 : i32
      %parallel_loop3A_83 = vector.broadcast %parallel_loop3A_82 : i32 to vector<16xi32>
      %parallel_loop3A_84 = arith.shli %parallel_loop3A_67, %parallel_loop3A_83 : vector<16xi32>
      %parallel_loop3A_85 = vector.bitcast %parallel_loop3A_84 : vector<16xi32> to vector<16xf32>
      %parallel_loop3A_86 = arith.constant -65536 : i32
      %parallel_loop3A_87 = vector.broadcast %parallel_loop3A_86 : i32 to vector<16xi32>
      %parallel_loop3A_88 = arith.andi %parallel_loop3A_67, %parallel_loop3A_87 : vector<16xi32>
      %parallel_loop3A_89 = vector.bitcast %parallel_loop3A_88 : vector<16xi32> to vector<16xf32>
      %parallel_loop3A_90 = arith.constant 16 : i32
      %parallel_loop3A_91 = vector.broadcast %parallel_loop3A_90 : i32 to vector<16xi32>
      %parallel_loop3A_92 = arith.shli %parallel_loop3A_70, %parallel_loop3A_91 : vector<16xi32>
      %parallel_loop3A_93 = vector.bitcast %parallel_loop3A_92 : vector<16xi32> to vector<16xf32>
      %parallel_loop3A_94 = arith.constant -65536 : i32
      %parallel_loop3A_95 = vector.broadcast %parallel_loop3A_94 : i32 to vector<16xi32>
      %parallel_loop3A_96 = arith.andi %parallel_loop3A_70, %parallel_loop3A_95 : vector<16xi32>
      %parallel_loop3A_97 = vector.bitcast %parallel_loop3A_96 : vector<16xi32> to vector<16xf32>
      %parallel_loop3A_98 = arith.constant 16 : i32
      %parallel_loop3A_99 = vector.broadcast %parallel_loop3A_98 : i32 to vector<16xi32>
      %parallel_loop3A_100 = arith.shli %parallel_loop3A_73, %parallel_loop3A_99 : vector<16xi32>
      %parallel_loop3A_101 = vector.bitcast %parallel_loop3A_100 : vector<16xi32> to vector<16xf32>
      %parallel_loop3A_102 = arith.constant -65536 : i32
      %parallel_loop3A_103 = vector.broadcast %parallel_loop3A_102 : i32 to vector<16xi32>
      %parallel_loop3A_104 = arith.andi %parallel_loop3A_73, %parallel_loop3A_103 : vector<16xi32>
      %parallel_loop3A_105 = vector.bitcast %parallel_loop3A_104 : vector<16xi32> to vector<16xf32>
      %parallel_loop3A_106 = arith.addf %parallel_loop3A_77, %parallel_loop3A_93 : vector<16xf32>
      %parallel_loop3A_107 = arith.constant 0.000000e+00 : f32
      %parallel_loop3A_108 = vector.broadcast %parallel_loop3A_107 : f32 to vector<16xf32>
      %parallel_loop3A_109 = arith.maximumf %parallel_loop3A_106, %parallel_loop3A_108 : vector<16xf32>
      %parallel_loop3A_110 = arith.constant 0 : i32
      %parallel_loop3A_111 = arith.addi %parallel_loop3A_61, %parallel_loop3A_110 : i32
      %parallel_loop3A_112 = arith.index_cast %parallel_loop3A_111 : i32 to index
      %parallel_loop3A_113 = tpu.vector_load %arg8[%parallel_loop3A_112] {strides = array<i32>} : memref<40960xf32, #tpu.memory_space<vmem>>, vector<16xf32>,
      tpu.vector_store %arg8[%parallel_loop3A_112], %parallel_loop3A_109 {strides = array<i32>} : memref<40960xf32, #tpu.memory_space<vmem>>, vector<16xf32>,
      %parallel_loop3A_114 = arith.addf %parallel_loop3A_81, %parallel_loop3A_97 : vector<16xf32>
      %parallel_loop3A_115 = arith.constant 0.000000e+00 : f32
      %parallel_loop3A_116 = vector.broadcast %parallel_loop3A_115 : f32 to vector<16xf32>
      %parallel_loop3A_117 = arith.maximumf %parallel_loop3A_114, %parallel_loop3A_116 : vector<16xf32>
      %parallel_loop3A_118 = arith.constant 128 : i32
      %parallel_loop3A_119 = arith.addi %parallel_loop3A_61, %parallel_loop3A_118 : i32
      %parallel_loop3A_120 = arith.index_cast %parallel_loop3A_119 : i32 to index
      %parallel_loop3A_121 = tpu.vector_load %arg8[%parallel_loop3A_120] {strides = array<i32>} : memref<40960xf32, #tpu.memory_space<vmem>>, vector<16xf32>,
      tpu.vector_store %arg8[%parallel_loop3A_120], %parallel_loop3A_117 {strides = array<i32>} : memref<40960xf32, #tpu.memory_space<vmem>>, vector<16xf32>,
      %parallel_loop3A_122 = arith.addf %parallel_loop3A_85, %parallel_loop3A_101 : vector<16xf32>
      %parallel_loop3A_123 = arith.constant 0.000000e+00 : f32
      %parallel_loop3A_124 = vector.broadcast %parallel_loop3A_123 : f32 to vector<16xf32>
      %parallel_loop3A_125 = arith.maximumf %parallel_loop3A_122, %parallel_loop3A_124 : vector<16xf32>
      %parallel_loop3A_126 = arith.constant 256 : i32
      %parallel_loop3A_127 = arith.addi %parallel_loop3A_61, %parallel_loop3A_126 : i32
      %parallel_loop3A_128 = arith.index_cast %parallel_loop3A_127 : i32 to index
      %parallel_loop3A_129 = tpu.vector_load %arg8[%parallel_loop3A_128] {strides = array<i32>} : memref<40960xf32, #tpu.memory_space<vmem>>, vector<16xf32>,
      tpu.vector_store %arg8[%parallel_loop3A_128], %parallel_loop3A_125 {strides = array<i32>} : memref<40960xf32, #tpu.memory_space<vmem>>, vector<16xf32>,
      %parallel_loop3A_130 = arith.addf %parallel_loop3A_89, %parallel_loop3A_105 : vector<16xf32>
      %parallel_loop3A_131 = arith.constant 0.000000e+00 : f32
      %parallel_loop3A_132 = vector.broadcast %parallel_loop3A_131 : f32 to vector<16xf32>
      %parallel_loop3A_133 = arith.maximumf %parallel_loop3A_130, %parallel_loop3A_132 : vector<16xf32>
      %parallel_loop3A_134 = arith.constant 384 : i32
      %parallel_loop3A_135 = arith.addi %parallel_loop3A_61, %parallel_loop3A_134 : i32
      %parallel_loop3A_136 = arith.index_cast %parallel_loop3A_135 : i32 to index
      %parallel_loop3A_137 = tpu.vector_load %arg8[%parallel_loop3A_136] {strides = array<i32>} : memref<40960xf32, #tpu.memory_space<vmem>>, vector<16xf32>,
      tpu.vector_store %arg8[%parallel_loop3A_136], %parallel_loop3A_133 {strides = array<i32>} : memref<40960xf32, #tpu.memory_space<vmem>>, vector<16xf32>,
    } {sc.loop_unroll_factor = 16 : i64, sc.parallel_access}
    %add3A_11 = arith.constant 0 : i32
    %add3A_12 = arith.addi %div3A_3, %add3A_11 : i32
    %mul3A_13 = arith.constant 512 : i32
    %mul3A_14 = arith.muli %add3A_12, %mul3A_13 : i32
    %dma_start3A = arith.constant 0 : i32
    %dma_start3A_15 = tpu.memref_slice %arg8[%dma_start3A] : memref<40960xf32, #tpu.memory_space<vmem>> -> memref<20480xf32, #tpu.memory_space<vmem>>
    %dma_start3A_16 = tpu.memref_slice %arg4[%mul3A_14] : memref<1280000xf32, #tpu.memory_space<hbm>> -> memref<20480xf32, #tpu.memory_space<hbm>>
    %dma_start3A_17 = tpu.memref_slice %arg4[%mul3A_14] : memref<1280000xf32, #tpu.memory_space<hbm>> -> memref<20480xf32, #tpu.memory_space<hbm>>
    %dma_start3A_18 = arith.constant 0 : i32
    %dma_start3A_19 = tpu.memref_slice %arg8[%dma_start3A_18] : memref<40960xf32, #tpu.memory_space<vmem>> -> memref<20480xf32, #tpu.memory_space<vmem>>
    tpu.enqueue_dma source(%dma_start3A_19 : memref<20480xf32, #tpu.memory_space<vmem>>) target(%dma_start3A_17 : memref<20480xf32, #tpu.memory_space<hbm>>) target_semaphore(%arg9 : memref<!tpu.dma_semaphore, #tpu.memory_space<semaphore_mem>>)
    %parallel_loop3A_20 = arith.constant 320 : i32
    %parallel_loop3A_21 = arith.constant 640 : i32
    %parallel_loop3A_22 = arith.constant 1 : i32
    scf.for %parallel_loop3A_44 = %parallel_loop3A_20 to %parallel_loop3A_21 step %parallel_loop3A_22  : i32 {
      %parallel_loop3A_45 = arith.constant 3 : i32
      %parallel_loop3A_46 = arith.shrui %parallel_loop3A_44, %parallel_loop3A_45 : i32
      %parallel_loop3A_47 = arith.constant 7 : i32
      %parallel_loop3A_48 = arith.andi %parallel_loop3A_44, %parallel_loop3A_47 : i32
      %parallel_loop3A_49 = arith.constant 4 : i32
      %parallel_loop3A_50 = arith.shli %parallel_loop3A_48, %parallel_loop3A_49 : i32
      %parallel_loop3A_51 = arith.constant 16 : i32
      %parallel_loop3A_52 = arith.muli %parallel_loop3A_44, %parallel_loop3A_51 : i32
      %parallel_loop3A_53 = arith.index_cast %parallel_loop3A_52 : i32 to index
      %parallel_loop3A_54 = tpu.vector_load %arg6[%parallel_loop3A_53] {strides = array<i32>} : memref<10240xi32, #tpu.memory_space<vmem>>, vector<16xi32>,
      %parallel_loop3A_55 = arith.constant 16 : i32
      %parallel_loop3A_56 = arith.muli %parallel_loop3A_44, %parallel_loop3A_55 : i32
      %parallel_loop3A_57 = arith.index_cast %parallel_loop3A_56 : i32 to index
      %parallel_loop3A_58 = tpu.vector_load %arg7[%parallel_loop3A_57] {strides = array<i32>} : memref<10240xi32, #tpu.memory_space<vmem>>, vector<16xi32>,
      %parallel_loop3A_59 = arith.constant 9 : i32
      %parallel_loop3A_60 = arith.shli %parallel_loop3A_46, %parallel_loop3A_59 : i32
      %parallel_loop3A_61 = arith.addi %parallel_loop3A_60, %parallel_loop3A_50 : i32
      %parallel_loop3A_62 = arith.constant 0 : i32
      %parallel_loop3A_63 = tpu.memref_slice %arg5[%parallel_loop3A_62] : memref<40960xi32, #tpu.memory_space<vmem>> -> memref<10240xi32, #tpu.memory_space<vmem>>
      %parallel_loop3A_64 = tpu.vector_load_idx %parallel_loop3A_63[%parallel_loop3A_54] : memref<10240xi32, #tpu.memory_space<vmem>>[vector<16xi32>], vector<16xi32>,
      %parallel_loop3A_65 = arith.constant 10240 : i32
      %parallel_loop3A_66 = tpu.memref_slice %arg5[%parallel_loop3A_65] : memref<40960xi32, #tpu.memory_space<vmem>> -> memref<10240xi32, #tpu.memory_space<vmem>>
      %parallel_loop3A_67 = tpu.vector_load_idx %parallel_loop3A_66[%parallel_loop3A_54] : memref<10240xi32, #tpu.memory_space<vmem>>[vector<16xi32>], vector<16xi32>,
      %parallel_loop3A_68 = arith.constant 20480 : i32
      %parallel_loop3A_69 = tpu.memref_slice %arg5[%parallel_loop3A_68] : memref<40960xi32, #tpu.memory_space<vmem>> -> memref<10240xi32, #tpu.memory_space<vmem>>
      %parallel_loop3A_70 = tpu.vector_load_idx %parallel_loop3A_69[%parallel_loop3A_58] : memref<10240xi32, #tpu.memory_space<vmem>>[vector<16xi32>], vector<16xi32>,
      %parallel_loop3A_71 = arith.constant 30720 : i32
      %parallel_loop3A_72 = tpu.memref_slice %arg5[%parallel_loop3A_71] : memref<40960xi32, #tpu.memory_space<vmem>> -> memref<10240xi32, #tpu.memory_space<vmem>>
      %parallel_loop3A_73 = tpu.vector_load_idx %parallel_loop3A_72[%parallel_loop3A_58] : memref<10240xi32, #tpu.memory_space<vmem>>[vector<16xi32>], vector<16xi32>,
      %parallel_loop3A_74 = arith.constant 16 : i32
      %parallel_loop3A_75 = vector.broadcast %parallel_loop3A_74 : i32 to vector<16xi32>
      %parallel_loop3A_76 = arith.shli %parallel_loop3A_64, %parallel_loop3A_75 : vector<16xi32>
      %parallel_loop3A_77 = vector.bitcast %parallel_loop3A_76 : vector<16xi32> to vector<16xf32>
      %parallel_loop3A_78 = arith.constant -65536 : i32
      %parallel_loop3A_79 = vector.broadcast %parallel_loop3A_78 : i32 to vector<16xi32>
      %parallel_loop3A_80 = arith.andi %parallel_loop3A_64, %parallel_loop3A_79 : vector<16xi32>
      %parallel_loop3A_81 = vector.bitcast %parallel_loop3A_80 : vector<16xi32> to vector<16xf32>
      %parallel_loop3A_82 = arith.constant 16 : i32
      %parallel_loop3A_83 = vector.broadcast %parallel_loop3A_82 : i32 to vector<16xi32>
      %parallel_loop3A_84 = arith.shli %parallel_loop3A_67, %parallel_loop3A_83 : vector<16xi32>
      %parallel_loop3A_85 = vector.bitcast %parallel_loop3A_84 : vector<16xi32> to vector<16xf32>
      %parallel_loop3A_86 = arith.constant -65536 : i32
      %parallel_loop3A_87 = vector.broadcast %parallel_loop3A_86 : i32 to vector<16xi32>
      %parallel_loop3A_88 = arith.andi %parallel_loop3A_67, %parallel_loop3A_87 : vector<16xi32>
      %parallel_loop3A_89 = vector.bitcast %parallel_loop3A_88 : vector<16xi32> to vector<16xf32>
      %parallel_loop3A_90 = arith.constant 16 : i32
      %parallel_loop3A_91 = vector.broadcast %parallel_loop3A_90 : i32 to vector<16xi32>
      %parallel_loop3A_92 = arith.shli %parallel_loop3A_70, %parallel_loop3A_91 : vector<16xi32>
      %parallel_loop3A_93 = vector.bitcast %parallel_loop3A_92 : vector<16xi32> to vector<16xf32>
      %parallel_loop3A_94 = arith.constant -65536 : i32
      %parallel_loop3A_95 = vector.broadcast %parallel_loop3A_94 : i32 to vector<16xi32>
      %parallel_loop3A_96 = arith.andi %parallel_loop3A_70, %parallel_loop3A_95 : vector<16xi32>
      %parallel_loop3A_97 = vector.bitcast %parallel_loop3A_96 : vector<16xi32> to vector<16xf32>
      %parallel_loop3A_98 = arith.constant 16 : i32
      %parallel_loop3A_99 = vector.broadcast %parallel_loop3A_98 : i32 to vector<16xi32>
      %parallel_loop3A_100 = arith.shli %parallel_loop3A_73, %parallel_loop3A_99 : vector<16xi32>
      %parallel_loop3A_101 = vector.bitcast %parallel_loop3A_100 : vector<16xi32> to vector<16xf32>
      %parallel_loop3A_102 = arith.constant -65536 : i32
      %parallel_loop3A_103 = vector.broadcast %parallel_loop3A_102 : i32 to vector<16xi32>
      %parallel_loop3A_104 = arith.andi %parallel_loop3A_73, %parallel_loop3A_103 : vector<16xi32>
      %parallel_loop3A_105 = vector.bitcast %parallel_loop3A_104 : vector<16xi32> to vector<16xf32>
      %parallel_loop3A_106 = arith.addf %parallel_loop3A_77, %parallel_loop3A_93 : vector<16xf32>
      %parallel_loop3A_107 = arith.constant 0.000000e+00 : f32
      %parallel_loop3A_108 = vector.broadcast %parallel_loop3A_107 : f32 to vector<16xf32>
      %parallel_loop3A_109 = arith.maximumf %parallel_loop3A_106, %parallel_loop3A_108 : vector<16xf32>
      %parallel_loop3A_110 = arith.constant 0 : i32
      %parallel_loop3A_111 = arith.addi %parallel_loop3A_61, %parallel_loop3A_110 : i32
      %parallel_loop3A_112 = arith.index_cast %parallel_loop3A_111 : i32 to index
      %parallel_loop3A_113 = tpu.vector_load %arg8[%parallel_loop3A_112] {strides = array<i32>} : memref<40960xf32, #tpu.memory_space<vmem>>, vector<16xf32>,
      tpu.vector_store %arg8[%parallel_loop3A_112], %parallel_loop3A_109 {strides = array<i32>} : memref<40960xf32, #tpu.memory_space<vmem>>, vector<16xf32>,
      %parallel_loop3A_114 = arith.addf %parallel_loop3A_81, %parallel_loop3A_97 : vector<16xf32>
      %parallel_loop3A_115 = arith.constant 0.000000e+00 : f32
      %parallel_loop3A_116 = vector.broadcast %parallel_loop3A_115 : f32 to vector<16xf32>
      %parallel_loop3A_117 = arith.maximumf %parallel_loop3A_114, %parallel_loop3A_116 : vector<16xf32>
      %parallel_loop3A_118 = arith.constant 128 : i32
      %parallel_loop3A_119 = arith.addi %parallel_loop3A_61, %parallel_loop3A_118 : i32
      %parallel_loop3A_120 = arith.index_cast %parallel_loop3A_119 : i32 to index
      %parallel_loop3A_121 = tpu.vector_load %arg8[%parallel_loop3A_120] {strides = array<i32>} : memref<40960xf32, #tpu.memory_space<vmem>>, vector<16xf32>,
      tpu.vector_store %arg8[%parallel_loop3A_120], %parallel_loop3A_117 {strides = array<i32>} : memref<40960xf32, #tpu.memory_space<vmem>>, vector<16xf32>,
      %parallel_loop3A_122 = arith.addf %parallel_loop3A_85, %parallel_loop3A_101 : vector<16xf32>
      %parallel_loop3A_123 = arith.constant 0.000000e+00 : f32
      %parallel_loop3A_124 = vector.broadcast %parallel_loop3A_123 : f32 to vector<16xf32>
      %parallel_loop3A_125 = arith.maximumf %parallel_loop3A_122, %parallel_loop3A_124 : vector<16xf32>
      %parallel_loop3A_126 = arith.constant 256 : i32
      %parallel_loop3A_127 = arith.addi %parallel_loop3A_61, %parallel_loop3A_126 : i32
      %parallel_loop3A_128 = arith.index_cast %parallel_loop3A_127 : i32 to index
      %parallel_loop3A_129 = tpu.vector_load %arg8[%parallel_loop3A_128] {strides = array<i32>} : memref<40960xf32, #tpu.memory_space<vmem>>, vector<16xf32>,
      tpu.vector_store %arg8[%parallel_loop3A_128], %parallel_loop3A_125 {strides = array<i32>} : memref<40960xf32, #tpu.memory_space<vmem>>, vector<16xf32>,
      %parallel_loop3A_130 = arith.addf %parallel_loop3A_89, %parallel_loop3A_105 : vector<16xf32>
      %parallel_loop3A_131 = arith.constant 0.000000e+00 : f32
      %parallel_loop3A_132 = vector.broadcast %parallel_loop3A_131 : f32 to vector<16xf32>
      %parallel_loop3A_133 = arith.maximumf %parallel_loop3A_130, %parallel_loop3A_132 : vector<16xf32>
      %parallel_loop3A_134 = arith.constant 384 : i32
      %parallel_loop3A_135 = arith.addi %parallel_loop3A_61, %parallel_loop3A_134 : i32
      %parallel_loop3A_136 = arith.index_cast %parallel_loop3A_135 : i32 to index
      %parallel_loop3A_137 = tpu.vector_load %arg8[%parallel_loop3A_136] {strides = array<i32>} : memref<40960xf32, #tpu.memory_space<vmem>>, vector<16xf32>,
      tpu.vector_store %arg8[%parallel_loop3A_136], %parallel_loop3A_133 {strides = array<i32>} : memref<40960xf32, #tpu.memory_space<vmem>>, vector<16xf32>,
    } {sc.loop_unroll_factor = 16 : i64, sc.parallel_access}
    %add3A_23 = arith.constant 40 : i32
    %add3A_24 = arith.addi %div3A_3, %add3A_23 : i32
    %mul3A_25 = arith.constant 512 : i32
    %mul3A_26 = arith.muli %add3A_24, %mul3A_25 : i32
    %dma_start3A_27 = arith.constant 20480 : i32
    %dma_start3A_28 = tpu.memref_slice %arg8[%dma_start3A_27] : memref<40960xf32, #tpu.memory_space<vmem>> -> memref<20480xf32, #tpu.memory_space<vmem>>
    %dma_start3A_29 = tpu.memref_slice %arg4[%mul3A_26] : memref<1280000xf32, #tpu.memory_space<hbm>> -> memref<20480xf32, #tpu.memory_space<hbm>>
    %dma_start3A_30 = tpu.memref_slice %arg4[%mul3A_26] : memref<1280000xf32, #tpu.memory_space<hbm>> -> memref<20480xf32, #tpu.memory_space<hbm>>
    %dma_start3A_31 = arith.constant 20480 : i32
    %dma_start3A_32 = tpu.memref_slice %arg8[%dma_start3A_31] : memref<40960xf32, #tpu.memory_space<vmem>> -> memref<20480xf32, #tpu.memory_space<vmem>>
    tpu.enqueue_dma source(%dma_start3A_32 : memref<20480xf32, #tpu.memory_space<vmem>>) target(%dma_start3A_30 : memref<20480xf32, #tpu.memory_space<hbm>>) target_semaphore(%arg9 : memref<!tpu.dma_semaphore, #tpu.memory_space<semaphore_mem>>)
    %dma_wait3A = arith.constant 0 : i32
    %dma_wait3A_33 = tpu.memref_slice %arg8[%dma_wait3A] : memref<40960xf32, #tpu.memory_space<vmem>> -> memref<20480xf32, #tpu.memory_space<vmem>>
    %dma_wait3A_34 = tpu.memref_slice %arg4[%mul3A_14] : memref<1280000xf32, #tpu.memory_space<hbm>> -> memref<20480xf32, #tpu.memory_space<hbm>>
    %dma_wait3A_35 = tpu.memref_slice %arg4[%mul3A_14] : memref<1280000xf32, #tpu.memory_space<hbm>> -> memref<20480xf32, #tpu.memory_space<hbm>>
    %dma_wait3A_36 = arith.constant 0 : i32
    %dma_wait3A_37 = tpu.memref_slice %arg8[%dma_wait3A_36] : memref<40960xf32, #tpu.memory_space<vmem>> -> memref<20480xf32, #tpu.memory_space<vmem>>
    tpu.wait_dma2 semaphore(%arg9 : memref<!tpu.dma_semaphore, #tpu.memory_space<semaphore_mem>>) src(%dma_wait3A_37 : memref<20480xf32, #tpu.memory_space<vmem>>) dst(%dma_wait3A_35 : memref<20480xf32, #tpu.memory_space<hbm>>)
    %dma_wait3A_38 = arith.constant 20480 : i32
    %dma_wait3A_39 = tpu.memref_slice %arg8[%dma_wait3A_38] : memref<40960xf32, #tpu.memory_space<vmem>> -> memref<20480xf32, #tpu.memory_space<vmem>>
    %dma_wait3A_40 = tpu.memref_slice %arg4[%mul3A_26] : memref<1280000xf32, #tpu.memory_space<hbm>> -> memref<20480xf32, #tpu.memory_space<hbm>>
    %dma_wait3A_41 = tpu.memref_slice %arg4[%mul3A_26] : memref<1280000xf32, #tpu.memory_space<hbm>> -> memref<20480xf32, #tpu.memory_space<hbm>>
    %dma_wait3A_42 = arith.constant 20480 : i32
    %dma_wait3A_43 = tpu.memref_slice %arg8[%dma_wait3A_42] : memref<40960xf32, #tpu.memory_space<vmem>> -> memref<20480xf32, #tpu.memory_space<vmem>>
    tpu.wait_dma2 semaphore(%arg9 : memref<!tpu.dma_semaphore, #tpu.memory_space<semaphore_mem>>) src(%dma_wait3A_43 : memref<20480xf32, #tpu.memory_space<vmem>>) dst(%dma_wait3A_41 : memref<20480xf32, #tpu.memory_space<hbm>>)
    return
  }
}

module attributes {stable_mosaic.version = 14 : i64} {
  func.func @body(%arg0: i32, %arg1: memref<2048x128xf32, #tpu.memory_space<vmem>>, %arg2: memref<8x128xf32, #tpu.memory_space<vmem>>, %arg3: memref<4x16x128xi32, #tpu.memory_space<vmem>>) attributes {dimension_semantics = [#tpu.dimension_semantics<arbitrary>], iteration_bounds = array<i64: 5>, scalar_prefetch = 0 : i64, scratch_operands = 0 : i64, tpu.core_type = #tpu.core_type<tc>, window_params = [{transform_indices = @transform_0, window_bounds = array<i64: 2048, 128>}, {pipeline_mode = #tpu.pipeline_mode<synchronous>, transform_indices = @transform_1, window_bounds = array<i64: 8, 128>}, {transform_indices = @transform_2, window_bounds = array<i64: 4, 16, 128>}]} {
    %get3A = arith.constant 0 : index
    %get3A_0 = arith.constant 0 : index
    %get3A_1 = vector.load %arg2[%get3A, %get3A_0] : memref<8x128xf32, #tpu.memory_space<vmem>>, vector<8x128xf32>
    %get3A_2 = arith.constant 0 : index
    %get3A_3 = arith.constant 0 : index
    %get3A_4 = vector.load %arg1[%get3A_2, %get3A_3] : memref<2048x128xf32, #tpu.memory_space<vmem>>, vector<2048x128xf32>
    %dot_general3A = arith.constant dense<0.000000e+00> : vector<8x2048xf32>
    %dot_general3A_5 = tpu.matmul %get3A_1, %get3A_4, %dot_general3A {dimension_numbers = #tpu.dot_dimension_numbers<[1], [1], [0], [0], [0, 0, 1, 0], [], []>, transpose_lhs_hint = false} : vector<8x128xf32>, vector<2048x128xf32>, vector<8x2048xf32> -> vector<8x2048xf32>
    %convert_element_type3A = arith.truncf %dot_general3A_5 : vector<8x2048xf32> to vector<8x2048xbf16>
    %bitcast_convert_type3A = tpu.bitcast %convert_element_type3A : vector<8x2048xbf16> -> vector<8x2048xi16>
    %convert_element_type3A_6 = arith.extui %bitcast_convert_type3A : vector<8x2048xi16> to vector<8x2048xi32>
    %slice3A = vector.extract_strided_slice %convert_element_type3A_6 {offsets = [0, 0], sizes = [4, 2048], strides = [1, 1]} : vector<8x2048xi32> to vector<4x2048xi32>
    %slice3A_7 = vector.extract_strided_slice %convert_element_type3A_6 {offsets = [4, 0], sizes = [4, 2048], strides = [1, 1]} : vector<8x2048xi32> to vector<4x2048xi32>
    %shift_left3A = arith.constant 16 : i32
    %shift_left3A_8 = vector.broadcast %shift_left3A : i32 to vector<4x2048xi32>
    %shift_left3A_9 = arith.shli %slice3A_7, %shift_left3A_8 : vector<4x2048xi32>
    %or3A = arith.ori %slice3A, %shift_left3A_9 : vector<4x2048xi32>
    %bitcast_convert_type3A_10 = tpu.bitcast %or3A : vector<4x2048xi32> -> vector<4x2048xi32>
    %reshape3A = vector.shape_cast %bitcast_convert_type3A_10 : vector<4x2048xi32> to vector<4x16x128xi32>
    %swap3A = arith.constant 0 : index
    %swap3A_11 = arith.constant 0 : index
    %swap3A_12 = arith.constant 0 : index
    %swap3A_13 = vector.load %arg3[%swap3A, %swap3A_11, %swap3A_12] : memref<4x16x128xi32, #tpu.memory_space<vmem>>, vector<4x16x128xi32>
    tpu.vector_store %arg3[%swap3A, %swap3A_11, %swap3A_12], %reshape3A {strides = array<i32>} : memref<4x16x128xi32, #tpu.memory_space<vmem>>, vector<4x16x128xi32>,
    return
  }
  func.func @transform_0(%arg0: i32) -> (i32, i32) {
    %c0_i32 = arith.constant 0 : i32
    %c0_i32_0 = arith.constant 0 : i32
    return %arg0, %c0_i32 : i32, i32
  }
  func.func @transform_1(%arg0: i32) -> (i32, i32) {
    %c0_i32 = arith.constant 0 : i32
    %c0_i32_0 = arith.constant 0 : i32
    %c0_i32_1 = arith.constant 0 : i32
    return %c0_i32, %c0_i32_0 : i32, i32
  }
  func.func @transform_2(%arg0: i32) -> (i32, i32, i32) {
    %c0_i32 = arith.constant 0 : i32
    %c0_i32_0 = arith.constant 0 : i32
    %c0_i32_1 = arith.constant 0 : i32
    return %c0_i32, %arg0, %c0_i32_0 : i32, i32, i32
  }
}

</mosaic_0001>

<sc_bundles>
// kernel: kernel.4.cloned.1.call-start
scs
__scs_entry_jumppad:
0x0: {  	(pc) =	sbr.rel $0x88, $3  }
0x1: {  	(tag) =	ssettag $0x0;
	lr =	simm.s32 $0x1  }
0x2: {  	[smem:$0x3F9E] =	sst lr;
	_ =	strace $0xD0000000  }
0x3: {  	_ = 	snop  }
0x4: {  	_ = 	snop  }
0x5: {  	_ = 	snop  }
0x6: {  	_ = 	snop  }
0x7: {  	_ = 	snop  }
__scs_overlays_trampoline_lowered:
0x8: {  	[smem:$0x3FAD] =	sst s0  }
0x9: {  	[smem:$0x3FAE] =	sst s1  }
0xa: {  	[smem:$0x3FAF] =	sst s2  }
0xb: {  	[smem:$0x3FB0] =	sst s3  }
0xc: {  	[smem:$0x3FB1] =	sst s4  }
0xd: {  	[smem:$0x3FB2] =	sst s5  }
0xe: {  	[smem:$0x3FB3] =	sst s6  }
0xf: {  	[smem:$0x3FB4] =	sst s7  }
0x10: {  	[smem:$0x3FB5] =	sst s8  }
0x11: {  	[smem:$0x3FB6] =	sst s9;
	s0 =	simm.s32 @!p0 $0x0  }
0x12: {  	s1 =	sld [smem:$0x3F9C];
	s0 =	simm.s32 @p0 $0x1  }
0x13: {  	[smem:$0x3FB7] =	sst s0;
	s0 =	simm.s32 @!p1 $0x0  }
0x14: {  	s2 =	sld [smem:$0x3F9B];
	s0 =	simm.s32 @p1 $0x1  }
0x15: {  	[smem:$0x3FB8] =	sst s0;
	s0 =	simm.s32 @!p2 $0x0  }
0x16: {  	s3 =	sld [smem:$0x3FDB];
	s0 =	simm.s32 @p2 $0x1  }
0x17: {  	s4 =	simm.s32 $0x1BF5;
	[smem:$0x3FBA] =	sst s0  }
0x18: {  	s0 =	sld [smem:$0x3F9D];
	_ =	swait.ge [sflag:s4], $0x0  }
0x19: {  	s7 =	sld [smem:$0x3F9E]  }
0x1a: {  	s8 =	sadd.s32 $0xFFFFE003, lr  }
0x1b: {  	s9 =	sadd.s32 $0xFFFFFEF7, lr;
	s5 =	simm.s32 $0xFFFFFFFF;
	p2 =	slt.u32 s8, $0xFFFFF086  }
0x1c: {  	p1 =	slt.u32 s9, $0xF7A;
	s5 =	simm.s32 @!p2 $0x0  }
0x1d: {  	s5 =	simm.s32 @p1 $0x1;
	p0 =	seq.s32 s7, s2  }
0x1e: {  	s7 =	smul.u32 @!p0 $0xF7A, s2;
	p2 =	seq.s32 @!p0 s5, $0x0  }
0x1f: {  	s9 =	smul.u32 $0xF7A, s1;
	s8 =	simm.s32 @!p0 $0x1BF5;
	p2 =	por !p2, p0  }
0x20: {  	[sflag:s8] =	ssyncset.s32 @!p0 $0xFFFFF086;
	s6 =	sadd.s32 @!p0 s3, s7;
	s7 =	simm.s32 @!p0 $0x108  }
0x21: {  	s3 =	sadd.s32 s3, s9;
	s6 =	sadd.s32 @!p0 $0x88, s6;
	s7 =	simm.s32 @p2 $0x1082  }
0x22: {  	[simem:s7], [sflag:s8] =	dma.local @!p0 [hbm:s6], $0xF7A  }
0x23: {  	s9 =	sor.u32 $0xD0000000, s2;
	s6 =	simm.s32 $0x108;
	_ =	swait.ge @!p0 [sflag:s8], $0x0  }
0x24: {  	s3 =	sadd.s32 $0x88, s3;
	s6 =	simm.s32 @!p1 $0x1082;
	[sflag:s4] =	ssyncset.s32 $0xFFFFF086  }
0x25: {  	[simem:s6], [sflag:s4] =	dma.local [hbm:s3], $0xF7A  }
0x26: {  	[smem:$0x3F9E] =	sst s1;
	(tag) =	ssettag s2;
	_ =	strace s9  }
0x27: {  	s1 =	sld [smem:$0x3FAE]  }
0x28: {  	s2 =	sld [smem:$0x3FAF]  }
0x29: {  	s4 =	sld [smem:$0x3FB1]  }
0x2a: {  	p0 =	seq.s32 s5, $0x0;
	s5 =	sld [smem:$0x3FB2]  }
0x2b: {  	s6 =	sld [smem:$0x3FB3]  }
0x2c: {  	s7 =	sld [smem:$0x3FB4]  }
0x2d: {  	s3 =	simm.s32 $0x108;
	s8 =	sld [smem:$0x3FB5]  }
0x2e: {  	s3 =	simm.s32 @!p0 $0x1082;
	s9 =	sld [smem:$0x3FB6]  }
0x2f: {  	lr =	sadd.s32 s0, s3;
	s0 =	sld [smem:$0x3FAD]  }
0x30: {  	s3 =	sld [smem:$0x3FB0]  }
0x31: {  	[smem:$0x3FB9] =	sst s10  }
0x32: {  	s10 =	sld [smem:$0x3FB7];
	_ =	sdelay $0x3  }
0x33: {  	p0 =	seq.s32 s10, $0x1;
	s10 =	sld [smem:$0x3FB9];
	_ =	sdelay $0x3  }
0x34: {  	[smem:$0x3FB9] =	sst s10  }
0x35: {  	s10 =	sld [smem:$0x3FB8];
	_ =	sdelay $0x3  }
0x36: {  	p1 =	seq.s32 s10, $0x1;
	s10 =	sld [smem:$0x3FB9];
	_ =	sdelay $0x3  }
0x37: {  	[smem:$0x3FB9] =	sst s10  }
0x38: {  	s10 =	sld [smem:$0x3FBA]  }
0x39: {  	_ = 	snop;
	(pc) =	sbr.ind lr, $3  }
0x3a: {  	_ = 	snop  }
0x3b: {  	_ = 	snop  }
0x3c: {  	p2 =	seq.s32 s10, $0x1;
	s10 =	sld [smem:$0x3FB9]  }
0x3d: {  	_ =	shalt  }
0x3e: {  	_ =	shalt  }
0x3f: {  	_ =	shalt  }
0x40: {  	_ =	shalt  }
0x41: {  	_ =	shalt  }
0x42: {  	_ =	shalt  }
0x43: {  	_ =	shalt  }
0x44: {  	_ =	shalt  }
0x45: {  	_ =	shalt  }
0x46: {  	_ =	shalt  }
0x47: {  	_ =	shalt  }
0x48: {  	_ =	shalt  }
0x49: {  	_ =	shalt  }
0x4a: {  	_ =	shalt  }
0x4b: {  	_ =	shalt  }
0x4c: {  	_ =	shalt  }
0x4d: {  	_ =	shalt  }
0x4e: {  	_ =	shalt  }
0x4f: {  	_ =	shalt  }
0x50: {  	_ =	shalt  }
0x51: {  	_ =	shalt  }
0x52: {  	_ =	shalt  }
0x53: {  	_ =	shalt  }
0x54: {  	_ =	shalt  }
0x55: {  	_ =	shalt  }
0x56: {  	_ =	shalt  }
0x57: {  	_ =	shalt  }
0x58: {  	_ =	shalt  }
0x59: {  	_ =	shalt  }
0x5a: {  	_ =	shalt  }
0x5b: {  	_ =	shalt  }
0x5c: {  	_ =	shalt  }
0x5d: {  	_ =	shalt  }
0x5e: {  	_ =	shalt  }
0x5f: {  	_ =	shalt  }
0x60: {  	_ =	shalt  }
0x61: {  	_ =	shalt  }
0x62: {  	_ =	shalt  }
0x63: {  	_ =	shalt  }
0x64: {  	_ =	shalt  }
0x65: {  	_ =	shalt  }
0x66: {  	_ =	shalt  }
0x67: {  	_ =	shalt  }
0x68: {  	_ =	shalt  }
0x69: {  	_ =	shalt  }
0x6a: {  	_ =	shalt  }
0x6b: {  	_ =	shalt  }
0x6c: {  	_ =	shalt  }
0x6d: {  	_ =	shalt  }
0x6e: {  	_ =	shalt  }
0x6f: {  	_ =	shalt  }
0x70: {  	_ =	shalt  }
0x71: {  	_ =	shalt  }
0x72: {  	_ =	shalt  }
0x73: {  	_ =	shalt  }
0x74: {  	_ =	shalt  }
0x75: {  	_ =	shalt  }
0x76: {  	_ =	shalt  }
0x77: {  	_ =	shalt  }
0x78: {  	_ =	shalt  }
0x79: {  	_ =	shalt  }
0x7a: {  	_ =	shalt  }
0x7b: {  	_ =	shalt  }
0x7c: {  	_ =	shalt  }
0x7d: {  	_ =	shalt  }
0x7e: {  	_ =	shalt  }
0x7f: {  	_ =	shalt  }
0x80: {  	_ =	shalt  }
0x81: {  	_ =	shalt  }
0x82: {  	_ =	shalt  }
0x83: {  	_ =	shalt  }
0x84: {  	_ =	shalt  }
0x85: {  	_ =	shalt  }
0x86: {  	_ =	shalt  }
0x87: {  	_ =	shalt  }
.Lfunc_end0:
.L_simem_size_0:
called_computation_lowered:
.L_overlay_start_0:
0x88: {  	s2 =	sld [smem:$0x3FD9]  }
0x89: {  	s3 =	sld [smem:$0x3FFE];
	_ =	sdelay $0x1  }
0x8a: {  	s1 =	srdreg.scid  }
0x8b: {  	s0 =	sand.u32 $0x1, s1  }
0x8c: {  	s17 =	sshll.u32 s0, $0xA;
	s2 =	sadd.s32 s3, s2  }
0x8d: {  	s2 =	sadd.s32 s2, s17  }
0x8e: {  	[smem:$0x3FC5] =	sst s2  }
0x8f: {  	_ = 	snop  }
0x90: {  	s2 =	sld [smem:$0x3FC8]  }
0x91: {  	s18 =	sld [smem:$0x3FD0];
	(tm) =	ssettm $0x1  }
0x92: {  	s4 =	sld [smem:$0x3FFB];
	_ =	sdelay $0x3  }
0x93: {  	_ =	strace s4  }
0x94: {  	s4 =	sld [smem:$0x3FFC];
	_ =	sdelay $0x3  }
0x95: {  	_ =	strace s4  }
0x96: {  	s4 =	sld [smem:$0x3FFD];
	_ =	sdelay $0x3  }
0x97: {  	_ =	strace s4  }
0x98: {  	_ =	strace $0x8FFFFFFF  }
0x99: {  	s19 =	sld [smem:$0x3FDB];
	_ =	sdelay $0x1  }
0x9a: {  	s5 =	simm.s32 $_scs_section_size  }
0x9b: {  	s6 =	simm.s32 $_size__tile_overlayer_lowered;
	s7 =	simm.s32 $_tile_overlayer_lowered  }
0x9c: {  	s22 =	simm.s32 $0x1BFF;
	s21 =	sshll.u32 s7, $0x1;
	s4 =	sadd.s32 s5, s19  }
0x9d: {  	s8 =	simm.s32 $0x0;
	s20 =	sshll.u32 s6, $0x1;
	s6 =	sadd.s32 s21, s4  }
0x9e: {  	[timem:s8], [sflag:s22] =	dma.local [hbm:s6], s20  }
0x9f: {  	_ =	swait.ge [sflag:s22], s20  }
0xa0: {  	s5 =	ssub.s32 $0x0, s20;
	[sflag:s22] =	ssyncset.done $0x0  }
0xa1: {  	[sflag:s22] =	ssyncadd.s32 s5;
	_ =	sdelay $0x1  }
0xa2: {  	s23 =	simm.s32 $0x1B8B  }
0xa3: {  	_ =	swait.ge [sflag:s23], $0x1  }
0xa4: {  	[sflag:s23] =	ssyncset.done $0x0  }
0xa5: {  	s25 =	simm.s32 $0x1B8E;
	s24 =	sld [smem:$0x3FFE];
	[sflag:s23] =	ssyncadd.s32 $0xFFFFFFFF  }
0xa6: {  	s26 =	simm.s32 $execute0_lowered;
	[smem:$0x3FD2] =	sst s25  }
0xa7: {  	s6 =	sshll.u32 s26, $0x1;
	_ =	strace $0x80000046;
	[dreg:$0x1] =	wrdreg $0xFFFFFFFF  }
0xa8: {  	s28 =	simm.s32 $_size_execute0_lowered;
	s4 =	sadd.s32 s4, s6;
	[dreg:$0x0] =	wrdreg $0x0  }
0xa9: {  	s6 =	sshll.u32 s28, $0x1;
	[dreg:$0x2] =	wrdreg s4  }
0xaa: {  	[dreg:$0x3] =	wrdreg s6  }
0xab: {  	[dreg:$0x4] =	wrdreg $0xC0  }
0xac: {  	_ =	task [dreg:s8], $0x5FFFF  }
0xad: {  	[dreg:$0x1] =	wrdreg $0xFFFFFFFF  }
0xae: {  	[dreg:$0x0] =	wrdreg $0x60  }
0xaf: {  	[dreg:$0x2] =	wrdreg s24  }
0xb0: {  	[dreg:$0x3] =	wrdreg s2  }
0xb1: {  	[dreg:$0x4] =	wrdreg s18  }
0xb2: {  	[dreg:$0x5] =	wrdreg $0x9  }
0xb3: {  	_ =	task.clear_ibuf [dreg:s8], $0x6FFFF;
	_ =	strace $0x90000046  }
0xb4: {  	s29 =	simm.s32 $0x9;
	_ =	strace $0x80000048  }
0xb5: {  	_ =	swait.ge [sflag:s29], $0x1  }
0xb6: {  	[sflag:s29] =	ssyncadd.s32 $0xFFFFFFFF  }
0xb7: {  	_ =	strace $0x90000048  }
0xb8: {  	_ =	sfence  }
0xb9: {  	s30 =	sld [smem:$0x0];
	_ =	sdelay $0x2  }
0xba: {  	s31 =	sshll.u32 s1, $0xD;
	s1 =	sshrl.u32 s1, $0x2  }
0xbb: {  	s3 =	sand.u32 $0x4000, s31;
	s1 =	sadd.s32 s1, s30  }
0xbc: {  	s0 =	sor.u32 s3, s0;
	s1 =	sshll.u32 s1, $0x11  }
0xbd: {  	s0 =	sor.u32 s1, s0  }
0xbe: {  	s0 =	sadd.s32 $0x8F2B, s0  }
0xbf: {  	[sflag:s0] =	ssyncadd.remote.s32 $0x1  }
0xc0: {  	_ =	sfence.sel $0xFFFF  }
0xc1: {  	[dreg:$0x0] =	wrdreg $0xFFFFFFFF;
	(pc) =	sbr.abs _section_cstart, $3  }
0xc2: {  	[dreg:$0x1] =	wrdreg $0xFFFFFFFF  }
0xc3: {  	_ =	task.clear_ibuf [dreg:s8], $0x2FFFF;
	_ =	strace $0x9FFFFFFF  }
0xc4: {  	(tm) =	ssettm $0x7FFFFFFF  }
0xc5: {  	_ =	shalt  }
tec
execute0_lowered:
.L_overlay_start_1:
0x0: {  	(tag) =	ssettag $0x1  }
0x1: {  	s0 =	srdreg.scid;
	s1 =	rddreg [dreg:$0x0]  }
0x2: {  	s2 =	stileid.u32;
	s4 =	rddreg [dreg:$0x1]  }
0x3: {  	s5 =	rddreg [dreg:$0x2];
	s9 =	simm.s32 $0x2;
	s10 =	simm.s32 $0x80  }
0x4: {  	s11 =	simm.s32 $0x100;
	s0 =	sand.u32 $0x1, s0;
	s2 =	sshll.u32 s2, $0x1  }
0x5: {  	s14 =	simm.s32 $0x2800;
	s15 =	simm.s32 $0x5000;
	s2 =	sor.u32 s0, s2  }
0x6: {  	s16 =	simm.s32 $0x7800;
	s17 =	simm.s32 $0xF000;
	s3 =	smul.u32 $0x974, s2  }
0x7: {  	s18 =	simm.s32 $0x14000;
	s19 =	simm.s32 $0x1;
	s0 =	ssub.s32 $0x2, s0  }
0x8: {  	s2 =	simm.s32 $0x0;
	s31 =	sshrl.u32 s0, $0x1;
	s6 =	smulhi.u32 $0x8421085, s3  }
0x9: {  	s20 =	simm.s32 $0x0;
	[smem:$0x7FF] =	sst s2;
	s0 =	ssub.s32 s0, s31  }
0xa: {  	_ =	strace $0x80000047;
	s7 =	sshll.u32 s6, $0x5;
	s6 =	sshll.u32 s6, $0x6  }
0xb: {  	s3 =	sadd.s32 $0xA00, s1;
	s4 =	sadd.s32 s4, s7;
	s5 =	sadd.s32 s5, s6  }
0xc: {  	s8 =	smax.u32 s0, $0x1;
	s6 =	sadd.s32 $0x10, s4;
	s7 =	sadd.s32 $0xA00, s5  }
.LBB2_1:
0xd: {  	[tilespmem:s2], [sflag:$0x2] =	stream.linear.gather [hbm4b:s3+s2], $0xA000, $0x38;
	[tilespmem:$0x19000] =	vst v63  }
0xe: {  	_ =	swait.ge [sflag:s9], $0xA000  }
0xf: {  	[sflag:s9] =	ssyncset.done $0x0  }
0x10: {  	s0 =	simm.s32 $0xA000;
	[sflag:s9] =	ssyncadd.s32 $0xFFFF6000  }
0x11: {  	[tilespmem:s0], [sflag:$0x2] =	stream.strided.gather [hbm4b:s4+s10], $0x2800, s11, s10, $0x38;
	[tilespmem:$0x19000] =	vst v63  }
0x12: {  	_ =	swait.ge [sflag:s9], $0x2800  }
0x13: {  	[sflag:s9] =	ssyncset.done $0x0  }
0x14: {  	s25 =	simm.s32 $0xC800;
	[sflag:s9] =	ssyncadd.s32 $0xFFFFD800  }
0x15: {  	[tilespmem:s25], [sflag:$0x2] =	stream.strided.gather [hbm4b:s6+s10], $0x2800, s11, s10, $0x38;
	[tilespmem:$0x19000] =	vst v63  }
0x16: {  	_ =	swait.ge [sflag:s9], $0x2800  }
0x17: {  	[sflag:s9] =	ssyncset.done $0x0  }
0x18: {  	s26 =	simm.s32 $0xF0;
	[sflag:s9] =	ssyncadd.s32 $0xFFFFD800  }
0x19: {  	v0 =	vld [tilespmem:s26+$0xA000]  }
0x1a: {  	v1 =	vld [tilespmem:s26+$0xC800]  }
0x1b: {  	v2 =	vld [tilespmem:s26+$0x9F10]  }
0x1c: {  	v4 =	vld [tilespmem:s26+$0xC710]  }
0x1d: {  	v5 =	vld [tilespmem:s26+$0x9F20]  }
0x1e: {  	v6 =	vld [tilespmem:s26+$0xC720]  }
0x1f: {  	v7 =	vld [tilespmem:s26+$0x9F30]  }
0x20: {  	v8 =	vld [tilespmem:s26+$0xC730]  }
0x21: {  	v12 =	vld [tilespmem:s26+$0x9F40]  }
0x22: {  	v13 =	vld [tilespmem:s26+$0xC740]  }
0x23: {  	v14 =	vld [tilespmem:s26+$0x9F50]  }
0x24: {  	v15 =	vld [tilespmem:s26+$0xC750]  }
0x25: {  	v16 =	vld [tilespmem:s26+$0x9F60]  }
0x26: {  	v17 =	vld [tilespmem:s26+$0xC760]  }
0x27: {  	v18 =	vld [tilespmem:s26+$0x9F70]  }
0x28: {  	v20 =	vld [tilespmem:s26+$0xC770]  }
0x29: {  	v3 =	vld [tilespmem:s26+$0x9F80]  }
0x2a: {  	v22 =	vld [tilespmem:s26+$0xC780]  }
0x2b: {  	v21 =	vld [tilespmem:s26+$0x9F90]  }
0x2c: {  	v26 =	vld [tilespmem:s26+$0xC790]  }
0x2d: {  	v28 =	vld [tilespmem:s26+$0x9FA0]  }
0x2e: {  	v32 =	vld [tilespmem:s26+$0xC7A0]  }
0x2f: {  	v34 =	vld [tilespmem:s26+$0x9FB0]  }
0x30: {  	v38 =	vld [tilespmem:s26+$0x9FC0]  }
0x31: {  	v40 =	vld [tilespmem:s26+$0xC7C0]  }
0x32: {  	v41 =	vld [tilespmem:s26+$0x9FD0]  }
0x33: {  	v51 =	vld [tilespmem:s26+$0xC7D0]  }
0x34: {  	v49 =	vld [tilespmem:s26+$0x9FE0]  }
0x35: {  	v19 =	vld [tilespmem:s26+$0x9FF0]  }
0x36: {  	v9 =	vld.idx.msk [tilespmem:v0+s2+$0x0], $0xffff  }
0x37: {  	v10 =	vld.idx.msk [tilespmem:v1+s15+$0x0], $0xffff  }
0x38: {  	v11 =	vld.idx.msk [tilespmem:v0+s14+$0x0], $0xffff  }
0x39: {  	v1 =	vld.idx.msk [tilespmem:v1+s16+$0x0], $0xffff  }
0x3a: {  	v50 =	vld [tilespmem:s26+$0xC7E0]  }
0x3b: {  	v0 =	vld [tilespmem:s26+$0xC7B0];
	[tilespmem:$0x1FFD0] =	vst v19  }
0x3c: {  	v23 =	vld.idx.msk [tilespmem:v2+s2+$0x0], $0xffff  }
0x3d: {  	v2 =	vld.idx.msk [tilespmem:v2+s14+$0x0], $0xffff;
	v19 =	vshll.u32 v9, $0x10;
	v24 =	vshll.u32 v10, $0x10  }
0x3e: {  	v25 =	vshll.u32 v11, $0x10;
	v27 =	vshll.u32 v1, $0x10;
	v19 =	vadd.f32 v24, v19;
	v24 =	vld.idx.msk [tilespmem:v4+s15+$0x0], $0xffff  }
0x3f: {  	v46 =	vld [tilespmem:s26+$0xC7F0];
	v11 =	vand.u32 $0xFFFF0000, v11;
	v1 =	vand.u32 $0xFFFF0000, v1;
	v43 =	vadd.f32 v27, v25  }
0x40: {  	v48 =	vld.idx.msk [tilespmem:v5+s2+$0x0], $0xffff;
	v9 =	vand.u32 $0xFFFF0000, v9;
	v10 =	vand.u32 $0xFFFF0000, v10;
	v1 =	vadd.f32 v1, v11  }
0x41: {  	v5 =	vld.idx.msk [tilespmem:v5+s14+$0x0], $0xffff;
	v9 =	vadd.f32 v10, v9;
	v55 =	vand.u32 $0xFFFF0000, v23;
	v54 =	vmax.f32 v43, $0.0e+00  }
0x42: {  	v4 =	vld.idx.msk [tilespmem:v4+s16+$0x0], $0xffff;
	v47 =	vmax.f32 v19, $0.0e+00;
	v1 =	vmax.f32 v1, $0.0e+00;
	v19 =	vshll.u32 v2, $0x10;
	[tilespmem:$0x1FFE0] =	vst v54  }
0x43: {  	[tilespmem:$0x1FFF0] =	vst v1;
	v1 =	vshll.u32 v23, $0x10;
	v23 =	vand.u32 $0xFFFF0000, v2;
	v2 =	vshll.u32 v24, $0x10  }
0x44: {  	v52 =	vmax.f32 v9, $0.0e+00;
	v9 =	vld.idx.msk [tilespmem:v6+s15+$0x0], $0xffff;
	v1 =	vadd.f32 v2, v1  }
0x45: {  	v6 =	vld.idx.msk [tilespmem:v6+s16+$0x0], $0xffff;
	v24 =	vand.u32 $0xFFFF0000, v24  }
0x46: {  	v25 =	vld.idx.msk [tilespmem:v7+s2+$0x0], $0xffff;
	[tilespmem:$0x1FED0] =	vst v1;
	v1 =	vadd.f32 v24, v55  }
0x47: {  	v27 =	vshll.u32 v4, $0x10;
	v4 =	vand.u32 $0xFFFF0000, v4  }
0x48: {  	v2 =	vadd.f32 v4, v23;
	v29 =	vld.idx.msk [tilespmem:v7+s14+$0x0], $0xffff;
	[tilespmem:$0x1FEE0] =	vst v1  }
0x49: {  	v57 =	vand.u32 $0xFFFF0000, v48;
	v59 =	vand.u32 $0xFFFF0000, v9;
	v58 =	vld.idx.msk [tilespmem:v8+s15+$0x0], $0xffff  }
0x4a: {  	v1 =	vadd.f32 v27, v19;
	v4 =	vadd.f32 v59, v57;
	v27 =	vld.idx.msk [tilespmem:v8+s16+$0x0], $0xffff;
	[tilespmem:$0x1FEF0] =	vst v2  }
0x4b: {  	v23 =	vld.idx.msk [tilespmem:v12+s2+$0x0], $0xffff  }
0x4c: {  	v56 =	vshll.u32 v48, $0x10;
	v24 =	vand.u32 $0xFFFF0000, v5;
	v12 =	vld.idx.msk [tilespmem:v12+s14+$0x0], $0xffff;
	[tilespmem:$0x1FF00] =	vst v4  }
0x4d: {  	v60 =	vshll.u32 v6, $0x10;
	v19 =	vshll.u32 v5, $0x10;
	v5 =	vshll.u32 v9, $0x10;
	v31 =	vld.idx.msk [tilespmem:v13+s15+$0x0], $0xffff  }
0x4e: {  	v30 =	vand.u32 $0xFFFF0000, v6;
	v61 =	vshll.u32 v25, $0x10;
	v2 =	vadd.f32 v5, v56;
	v13 =	vld.idx.msk [tilespmem:v13+s16+$0x0], $0xffff  }
0x4f: {  	v5 =	vadd.f32 v30, v24;
	v4 =	vadd.f32 v60, v19;
	v19 =	vshll.u32 v29, $0x10  }
0x50: {  	v24 =	vld.idx.msk [tilespmem:v14+s2+$0x0], $0xffff;
	v29 =	vand.u32 $0xFFFF0000, v29;
	v30 =	vshll.u32 v27, $0x10;
	v27 =	vand.u32 $0xFFFF0000, v27  }
0x51: {  	v25 =	vand.u32 $0xFFFF0000, v25;
	v33 =	vld.idx.msk [tilespmem:v14+s14+$0x0], $0xffff;
	v11 =	vand.u32 $0xFFFF0000, v58;
	v43 =	vadd.f32 v27, v29  }
0x52: {  	v7 =	vadd.f32 v11, v25;
	v25 =	vld.idx.msk [tilespmem:v15+s15+$0x0], $0xffff;
	v63 =	vadd.f32 v30, v19;
	v19 =	vshll.u32 v12, $0x10  }
0x53: {  	v35 =	vld.idx.msk [tilespmem:v15+s16+$0x0], $0xffff;
	v15 =	vshll.u32 v31, $0x10;
	v27 =	vand.u32 $0xFFFF0000, v31;
	v31 =	vshll.u32 v13, $0x10;
	[tilespmem:$0x1FF10] =	vst v43  }
0x54: {  	v14 =	vshll.u32 v23, $0x10;
	v23 =	vand.u32 $0xFFFF0000, v23;
	v45 =	vadd.f32 v31, v19;
	v29 =	vld.idx.msk [tilespmem:v16+s2+$0x0], $0xffff  }
0x55: {  	v30 =	vand.u32 $0xFFFF0000, v12;
	v44 =	vand.u32 $0xFFFF0000, v13;
	v13 =	vadd.f32 v15, v14;
	v39 =	vld.idx.msk [tilespmem:v16+s14+$0x0], $0xffff  }
0x56: {  	v15 =	vadd.f32 v27, v23;
	v23 =	vshll.u32 v24, $0x10;
	v53 =	vadd.f32 v44, v30;
	v27 =	vld.idx.msk [tilespmem:v17+s15+$0x0], $0xffff;
	[tilespmem:$0x1FF20] =	vst v45  }
0x57: {  	v24 =	vand.u32 $0xFFFF0000, v24;
	v48 =	vld.idx.msk [tilespmem:v17+s16+$0x0], $0xffff;
	v17 =	vshll.u32 v25, $0x10;
	v25 =	vand.u32 $0xFFFF0000, v25  }
0x58: {  	v54 =	vshll.u32 v35, $0x10;
	v19 =	vshll.u32 v33, $0x10;
	[tilespmem:$0x1FF30] =	vst v53;
	v55 =	vadd.f32 v25, v24  }
0x59: {  	v56 =	vadd.f32 v54, v19;
	v30 =	vld.idx.msk [tilespmem:v18+s2+$0x0], $0xffff  }
0x5a: {  	v62 =	vshll.u32 v58, $0x10;
	v42 =	vld.idx.msk [tilespmem:v18+s14+$0x0], $0xffff;
	[tilespmem:$0x1FF40] =	vst v55  }
0x5b: {  	v6 =	vadd.f32 v62, v61;
	v25 =	vld.idx.msk [tilespmem:v20+s15+$0x0], $0xffff;
	[tilespmem:$0x1FF50] =	vst v56  }
0x5c: {  	v35 =	vand.u32 $0xFFFF0000, v35;
	v31 =	vand.u32 $0xFFFF0000, v33;
	v17 =	vadd.f32 v17, v23;
	v58 =	vld.idx.msk [tilespmem:v20+s16+$0x0], $0xffff  }
0x5d: {  	v23 =	vshll.u32 v29, $0x10;
	v24 =	vand.u32 $0xFFFF0000, v29;
	v29 =	vshll.u32 v39, $0x10;
	v59 =	vld.idx.msk [tilespmem:v3+s2+$0x0], $0xffff  }
0x5e: {  	v57 =	vand.u32 $0xFFFF0000, v39;
	v20 =	vadd.f32 v35, v31;
	v31 =	vshll.u32 v27, $0x10;
	v3 =	vld.idx.msk [tilespmem:v3+s14+$0x0], $0xffff  }
0x5f: {  	v27 =	vand.u32 $0xFFFF0000, v27;
	v43 =	vshll.u32 v48, $0x10;
	v33 =	vand.u32 $0xFFFF0000, v48;
	v53 =	vld.idx.msk [tilespmem:v22+s15+$0x0], $0xffff  }
0x60: {  	v60 =	vld.idx.msk [tilespmem:v22+s16+$0x0], $0xffff;
	v14 =	vadd.f32 v31, v23;
	v36 =	vadd.f32 v27, v24;
	v31 =	vshll.u32 v30, $0x10  }
0x61: {  	v61 =	vld.idx.msk [tilespmem:v21+s2+$0x0], $0xffff;
	v45 =	vand.u32 $0xFFFF0000, v30;
	v18 =	vadd.f32 v43, v29;
	v29 =	vshll.u32 v42, $0x10  }
0x62: {  	v55 =	vld.idx.msk [tilespmem:v26+s16+$0x0], $0xffff;
	v42 =	vand.u32 $0xFFFF0000, v42;
	v16 =	vadd.f32 v33, v57;
	v22 =	vshll.u32 v25, $0x10  }
0x63: {  	v54 =	vld.idx.msk [tilespmem:v21+s14+$0x0], $0xffff;
	v25 =	vand.u32 $0xFFFF0000, v25;
	v62 =	vshll.u32 v58, $0x10;
	v39 =	vand.u32 $0xFFFF0000, v58  }
0x64: {  	v56 =	vld.idx.msk [tilespmem:v28+s14+$0x0], $0xffff;
	v44 =	vadd.f32 v22, v31;
	v22 =	vadd.f32 v25, v45;
	v31 =	vshll.u32 v59, $0x10  }
0x65: {  	v19 =	vmovc v63;
	v57 =	vld.idx.msk [tilespmem:v32+s15+$0x0], $0xffff;
	v35 =	vand.u32 $0xFFFF0000, v59;
	v63 =	vshll.u32 v3, $0x10;
	v3 =	vand.u32 $0xFFFF0000, v3  }
0x66: {  	v45 =	vld.idx.msk [tilespmem:v26+s15+$0x0], $0xffff;
	v10 =	vand.u32 $0xFFFF0000, v53;
	v11 =	vshll.u32 v60, $0x10;
	v43 =	vand.u32 $0xFFFF0000, v60  }
0x67: {  	v60 =	vand.u32 $0xFFFF0000, v61;
	v58 =	vshll.u32 v55, $0x10;
	v23 =	vadd.f32 v39, v42;
	v42 =	vld.idx.msk [tilespmem:v28+s2+$0x0], $0xffff  }
0x68: {  	v55 =	vand.u32 $0xFFFF0000, v55;
	v59 =	vld.idx.msk [tilespmem:v0+s16+$0x0], $0xffff;
	v30 =	vadd.f32 v62, v29;
	v29 =	vshll.u32 v53, $0x10  }
0x69: {  	v24 =	vadd.f32 v10, v35;
	v35 =	vshll.u32 v61, $0x10;
	v25 =	vadd.f32 v11, v63;
	v63 =	vld.idx.msk [tilespmem:v32+s16+$0x0], $0xffff  }
0x6a: {  	v62 =	vand.u32 $0xFFFF0000, v54;
	v28 =	vadd.f32 v43, v3;
	v43 =	vld.idx.msk [tilespmem:v0+s15+$0x0], $0xffff;
	v0 =	vshll.u32 v57, $0x10  }
0x6b: {  	v8 =	vand.u32 $0xFFFF0000, v57;
	v48 =	vadd.f32 v29, v31;
	v31 =	vadd.f32 v55, v62  }
0x6c: {  	v11 =	vld.idx.msk [tilespmem:v34+s2+$0x0], $0xffff;
	v3 =	vshll.u32 v45, $0x10;
	v33 =	vshll.u32 v42, $0x10;
	v42 =	vand.u32 $0xFFFF0000, v42  }
0x6d: {  	v55 =	vld.idx.msk [tilespmem:v38+s2+$0x0], $0xffff;
	v10 =	vand.u32 $0xFFFF0000, v45;
	v39 =	vadd.f32 v0, v33;
	v0 =	vadd.f32 v8, v42  }
0x6e: {  	v26 =	vadd.f32 v3, v35;
	v3 =	vld.idx.msk [tilespmem:v34+s14+$0x0], $0xffff;
	v34 =	vshll.u32 v56, $0x10;
	v9 =	vshll.u32 v63, $0x10  }
0x6f: {  	v27 =	vadd.f32 v10, v60;
	v60 =	vld.idx.msk [tilespmem:v38+s14+$0x0], $0xffff;
	[tilespmem:$0x1FF60] =	vst v0;
	v0 =	vadd.f32 v9, v34  }
0x70: {  	v61 =	vshll.u32 v54, $0x10;
	v56 =	vand.u32 $0xFFFF0000, v56;
	v54 =	vand.u32 $0xFFFF0000, v63  }
0x71: {  	v10 =	vshll.u32 v11, $0x10;
	v45 =	vand.u32 $0xFFFF0000, v11;
	v11 =	vld.idx.msk [tilespmem:v40+s15+$0x0], $0xffff;
	[tilespmem:$0x1FF70] =	vst v0;
	v0 =	vadd.f32 v54, v56  }
0x72: {  	v37 =	vshll.u32 v43, $0x10  }
0x73: {  	v34 =	vld.idx.msk [tilespmem:v40+s16+$0x0], $0xffff;
	[tilespmem:$0x1FF80] =	vst v0;
	v0 =	vadd.f32 v37, v10  }
0x74: {  	v43 =	vand.u32 $0xFFFF0000, v43  }
0x75: {  	v29 =	vadd.f32 v58, v61;
	v61 =	vld.idx.msk [tilespmem:v41+s2+$0x0], $0xffff;
	[tilespmem:$0x1FF90] =	vst v0;
	v0 =	vadd.f32 v43, v45  }
0x76: {  	v38 =	vmov v6;
	v6 =	vshll.u32 v59, $0x10;
	v33 =	vshll.u32 v3, $0x10  }
0x77: {  	v40 =	vmov v7;
	v7 =	vld.idx.msk [tilespmem:v41+s14+$0x0], $0xffff;
	[tilespmem:$0x1FFA0] =	vst v0;
	v0 =	vadd.f32 v6, v33  }
0x78: {  	v59 =	vand.u32 $0xFFFF0000, v59;
	v3 =	vand.u32 $0xFFFF0000, v3  }
0x79: {  	v62 =	vld.idx.msk [tilespmem:v51+s15+$0x0], $0xffff;
	[tilespmem:$0x1FFB0] =	vst v0;
	v0 =	vadd.f32 v59, v3;
	_ =	sdelay $0x1  }
0x7a: {  	s26 =	simm.s32 $0xF1F0;
	v63 =	vld.idx.msk [tilespmem:v51+s16+$0x0], $0xffff;
	[tilespmem:$0x1FFC0] =	vst v0  }
0x7b: {  	[tilespmem:s26+$0x80] =	vst v47  }
0x7c: {  	[tilespmem:s26+$0x100] =	vst v52  }
0x7d: {  	v0 =	vld [tilespmem:$0x1FFD0];
	_ =	sdelay $0x3  }
0x7e: {  	v41 =	vmov v2;
	v2 =	vld [tilespmem:$0x1FFE0];
	_ =	sdelay $0x2  }
0x7f: {  	v10 =	vld.idx.msk [tilespmem:v49+s2+$0x0], $0xffff  }
0x80: {  	v8 =	vshll.u32 v55, $0x10;
	v55 =	vand.u32 $0xFFFF0000, v55;
	v53 =	vand.u32 $0xFFFF0000, v11;
	v52 =	vld.idx.msk [tilespmem:v0+s2+$0x0], $0xffff  }
0x81: {  	v9 =	vshll.u32 v60, $0x10;
	v60 =	vand.u32 $0xFFFF0000, v60;
	v42 =	vadd.f32 v53, v55;
	[tilespmem:s26+$0x180] =	vst v2;
	v55 =	vld.idx.msk [tilespmem:v0+s14+$0x0], $0xffff  }
0x82: {  	v3 =	vshll.u32 v11, $0x10;
	v11 =	vand.u32 $0xFFFF0000, v34;
	v33 =	vshll.u32 v61, $0x10;
	v0 =	vld [tilespmem:$0x1FFF0]  }
0x83: {  	v43 =	vadd.f32 v3, v8;
	v3 =	vshll.u32 v34, $0x10;
	v34 =	vand.u32 $0xFFFF0000, v61  }
0x84: {  	s30 =	simm.s32 $0x3C0;
	s1 =	simm.s32 $0x280;
	s12 =	simm.s32 $0x300;
	v37 =	vadd.f32 v11, v60;
	v57 =	vshll.u32 v7, $0x10;
	v58 =	vand.u32 $0xFFFF0000, v7;
	v56 =	vld.idx.msk [tilespmem:v49+s14+$0x0], $0xffff  }
0x85: {  	s31 =	simm.s32 $0x340;
	s28 =	simm.s32 $0x0;
	s29 =	simm.s32 $0x7C0;
	v53 =	vld.idx.msk [tilespmem:v50+s15+$0x0], $0xffff;
	v47 =	vadd.f32 v3, v9;
	v3 =	vshll.u32 v62, $0x10;
	v45 =	vand.u32 $0xFFFF0000, v62  }
0x86: {  	s23 =	simm.s32 $0xF1F0;
	s24 =	sor.u32 $0x1C0, s12;
	s0 =	sor.u32 $0x70, s30;
	v32 =	vmovc v4;
	v54 =	vld.idx.msk [tilespmem:v50+s16+$0x0], $0xffff;
	v50 =	vadd.f32 v3, v33;
	v21 =	vadd.f32 v45, v34;
	v3 =	vshll.u32 v63, $0x10  }
0x87: {  	s22 =	sor.u32 $0x50, s31;
	s21 =	sor.u32 $0x1D0, s31;
	s25 =	sor.u32 $0x1A0, s1;
	v35 =	vmovc v5;
	v49 =	vmovc v1;
	v51 =	vld.idx.msk [tilespmem:v46+s15+$0x0], $0xffff;
	v61 =	vand.u32 $0xFFFF0000, v63;
	v59 =	vshll.u32 v10, $0x10;
	v60 =	vand.u32 $0xFFFF0000, v10;
	[tilespmem:s0+$0xF000] =	vst v0  }
.LBB2_2:
0x88: {  	_ = 	snop  }
0x89: {  	v0 =	vadd.f32 v3, v57;
	_ =	sdelay $0x1  }
0x8a: {  	[tilespmem:$0x1FE30] =	vst v0;
	v0 =	vadd.f32 v61, v58  }
0x8b: {  	v11 =	vshll.u32 v53, $0x10  }
0x8c: {  	[tilespmem:$0x1FE40] =	vst v0;
	v0 =	vadd.f32 v11, v59  }
0x8d: {  	s12 =	sshra.s32 s29, $0x2;
	v63 =	vld.idx.msk [tilespmem:v46+s16+$0x0], $0xffff;
	v33 =	vand.u32 $0xFFFF0000, v53  }
0x8e: {  	v4 =	vld [tilespmem:s12+$0xA000];
	[tilespmem:$0x1FE50] =	vst v0;
	v0 =	vadd.f32 v33, v60  }
0x8f: {  	v5 =	vld [tilespmem:s12+$0xC800]  }
0x90: {  	[tilespmem:$0x1FE60] =	vst v0;
	v0 =	vld [tilespmem:$0x1FED0]  }
0x91: {  	v3 =	vshll.u32 v56, $0x10;
	v62 =	vand.u32 $0xFFFF0000, v56;
	v56 =	vld [tilespmem:s12+$0x9F10]  }
0x92: {  	v34 =	vshll.u32 v54, $0x10;
	v2 =	vand.u32 $0xFFFF0000, v54;
	v54 =	vld [tilespmem:s12+$0xC710]  }
0x93: {  	v1 =	vshll.u32 v52, $0x10;
	v53 =	vld [tilespmem:s12+$0xC720]  }
0x94: {  	v6 =	vand.u32 $0xFFFF0000, v52;
	v52 =	vld [tilespmem:s12+$0x9F30];
	v61 =	vadd.f32 v2, v62;
	v2 =	vshll.u32 v51, $0x10  }
0x95: {  	v62 =	vadd.f32 v2, v1;
	v1 =	vmax.f32 v0, $0.0e+00;
	v0 =	vld [tilespmem:$0x1FEE0]  }
0x96: {  	v45 =	vand.u32 $0xFFFF0000, v51;
	v51 =	vld [tilespmem:s12+$0xC730]  }
0x97: {  	v10 =	vmax.f32 v32, $0.0e+00;
	v57 =	vadd.f32 v45, v6;
	v6 =	vld [tilespmem:s12+$0x9F40]  }
0x98: {  	v7 =	vand.u32 $0xFFFF0000, v55;
	v60 =	vadd.f32 v34, v3;
	v3 =	vshll.u32 v55, $0x10;
	v55 =	vld [tilespmem:s12+$0x9F20]  }
0x99: {  	v12 =	vmax.f32 v35, $0.0e+00;
	v8 =	vshll.u32 v63, $0x10;
	[tilespmem:s26+$0xFFFFFF20] =	vst v10;
	v10 =	vld [tilespmem:s12+$0x9F50]  }
0x9a: {  	v9 =	vand.u32 $0xFFFF0000, v63;
	v63 =	vadd.f32 v8, v3;
	v3 =	vmax.f32 v0, $0.0e+00;
	v0 =	vld [tilespmem:$0x1FEF0]  }
0x9b: {  	[tilespmem:s26+$0xFFFFFFA0] =	vst v12;
	v12 =	vld [tilespmem:s12+$0xC750]  }
0x9c: {  	v33 =	vmax.f32 v14, $0.0e+00;
	v14 =	vld [tilespmem:s12+$0x9F60]  }
0x9d: {  	v58 =	vmax.f32 v41, $0.0e+00;
	v11 =	vld.idx.msk [tilespmem:v5+s15+$0x0], $0xffff  }
0x9e: {  	[tilespmem:s26+$0xFFFFFE20] =	vst v58;
	v58 =	vld [tilespmem:s12+$0x9F80]  }
0x9f: {  	[tilespmem:s26+$0xFFFFFE90] =	vst v3;
	v3 =	vmax.f32 v0, $0.0e+00;
	v0 =	vld [tilespmem:$0x1FF00]  }
0xa0: {  	v46 =	vmax.f32 v49, $0.0e+00;
	v49 =	vmov v22;
	v22 =	vadd.f32 v9, v7;
	v7 =	vld.idx.msk [tilespmem:v4+s2+$0x0], $0xffff  }
0xa1: {  	v4 =	vld.idx.msk [tilespmem:v4+s14+$0x0], $0xffff  }
0xa2: {  	[tilespmem:s26+$0xFFFFFF10] =	vst v46;
	v34 =	vmax.f32 v18, $0.0e+00;
	v5 =	vld.idx.msk [tilespmem:v5+s16+$0x0], $0xffff;
	v18 =	vshll.u32 v11, $0x10  }
0xa3: {  	v8 =	vld [tilespmem:s12+$0xC740];
	v11 =	vand.u32 $0xFFFF0000, v11;
	[tilespmem:s26+$0xFFFFFE10] =	vst v1;
	v1 =	vmovc v13;
	v13 =	vmax.f32 v38, $0.0e+00;
	v38 =	vmovc v15;
	v15 =	vmax.f32 v19, $0.0e+00  }
0xa4: {  	v32 =	vmovc v23;
	v19 =	vmax.f32 v1, $0.0e+00;
	v23 =	vmax.f32 v38, $0.0e+00;
	[tilespmem:s26+$0xFFFFFE30] =	vst v13;
	v59 =	vmax.f32 v0, $0.0e+00;
	v0 =	vld [tilespmem:$0x1FF10]  }
0xa5: {  	v1 =	vmax.f32 v16, $0.0e+00;
	v16 =	vshll.u32 v7, $0x10;
	[tilespmem:s26+$0xFFFFFF30] =	vst v15;
	v38 =	vmax.f32 v49, $0.0e+00;
	v49 =	vld [tilespmem:s12+$0x9F90]  }
0xa6: {  	v7 =	vand.u32 $0xFFFF0000, v7;
	v13 =	vshll.u32 v4, $0x10;
	v15 =	vld [tilespmem:s12+$0xC7B0];
	[tilespmem:s26+$0xFFFFFF90] =	vst v3;
	v3 =	vmax.f32 v40, $0.0e+00  }
0xa7: {  	v7 =	vadd.f32 v11, v7;
	v11 =	vld [tilespmem:$0x1FF90];
	[tilespmem:s26+$0xFFFFFEB0] =	vst v3;
	v3 =	vand.u32 $0xFFFF0000, v4;
	v4 =	vshll.u32 v5, $0x10  }
0xa8: {  	[tilespmem:s23+$0xFFFFFE40] =	vst v19;
	v19 =	vmax.f32 v39, $0.0e+00;
	v39 =	vld [tilespmem:s12+$0x9FB0];
	v4 =	vadd.f32 v4, v13  }
0xa9: {  	v46 =	vmov v27;
	v27 =	vmov v17;
	[tilespmem:s23+$0xFFFFFEC0] =	vst v23;
	v17 =	vmax.f32 v0, $0.0e+00;
	v0 =	vld [tilespmem:$0x1FF20]  }
0xaa: {  	v2 =	vmov v25;
	v23 =	vld [tilespmem:$0x1FE30];
	v4 =	vmax.f32 v4, $0.0e+00;
	[tilespmem:s26+$0xFFFFFEA0] =	vst v59;
	s26 =	sadd.s32 $0x400, s26  }
0xab: {  	[tilespmem:s26+$0x180] =	vst v4;
	v4 =	vmax.f32 v32, $0.0e+00;
	v32 =	vmax.f32 v2, $0.0e+00;
	v2 =	vld [tilespmem:s12+$0xC790]  }
0xac: {  	[tilespmem:$0x1FEC0] =	vst v15;
	v15 =	vmax.f32 v42, $0.0e+00;
	v42 =	vmax.f32 v47, $0.0e+00;
	v47 =	vld [tilespmem:s12+$0x9FC0]  }
0xad: {  	[tilespmem:$0x1FEB0] =	vst v39;
	v39 =	vld [tilespmem:$0x1FFA0]  }
0xae: {  	v25 =	vmax.f32 v0, $0.0e+00;
	v0 =	vld [tilespmem:$0x1FF30]  }
0xaf: {  	v5 =	vand.u32 $0xFFFF0000, v5;
	v13 =	vld [tilespmem:$0x1FFC0]  }
0xb0: {  	v27 =	vmax.f32 v27, $0.0e+00;
	v3 =	vadd.f32 v5, v3;
	v5 =	vmax.f32 v44, $0.0e+00;
	[tilespmem:$0x1FE80] =	vst v2;
	v2 =	vld [tilespmem:s12+$0x9FA0]  }
0xb1: {  	[tilespmem:s23+$0xFFFFFE50] =	vst v27;
	v44 =	vmax.f32 v28, $0.0e+00;
	v28 =	vmax.f32 v26, $0.0e+00;
	v26 =	vmax.f32 v22, $0.0e+00;
	v22 =	vld.idx.msk [tilespmem:v54+s15+$0x0], $0xffff  }
0xb2: {  	v35 =	vmax.f32 v48, $0.0e+00;
	[tilespmem:$0x1FE70] =	vst v49;
	v59 =	vld [tilespmem:s12+$0xC780]  }
0xb3: {  	[tilespmem:s23+$0xFFFFFE80] =	vst v35;
	v9 =	vmax.f32 v0, $0.0e+00;
	v0 =	vld [tilespmem:$0x1FF40]  }
0xb4: {  	[tilespmem:s23+$0x0] =	vst v44;
	v35 =	vld.idx.msk [tilespmem:v55+s14+$0x0], $0xffff  }
0xb5: {  	[tilespmem:$0x1FE90] =	vst v2;
	v2 =	vld [tilespmem:s12+$0xC7A0]  }
0xb6: {  	[tilespmem:s23+$0xFFFFFFB0] =	vst v17;
	v17 =	vmax.f32 v37, $0.0e+00;
	v37 =	vld [tilespmem:s12+$0xC7C0]  }
0xb7: {  	v7 =	vmax.f32 v7, $0.0e+00;
	[tilespmem:s23+$0xFFFFFFC0] =	vst v9;
	v9 =	vmax.f32 v39, $0.0e+00;
	v39 =	vld [tilespmem:$0x1FFB0]  }
0xb8: {  	[tilespmem:s26+$0x100] =	vst v7;
	v45 =	vmax.f32 v0, $0.0e+00;
	v0 =	vld [tilespmem:$0x1FF50]  }
0xb9: {  	v44 =	vld.idx.msk [tilespmem:v52+s2+$0x0], $0xffff;
	[tilespmem:s23+$0xFFFFFF40] =	vst v25  }
0xba: {  	[tilespmem:$0x1FEA0] =	vst v2;
	v2 =	vld [tilespmem:$0x1FF70]  }
0xbb: {  	v21 =	vmax.f32 v21, $0.0e+00;
	v7 =	vmax.f32 v11, $0.0e+00;
	[tilespmem:s23+$0x20] =	vst v19;
	v19 =	vld.idx.msk [tilespmem:v6+s2+$0x0], $0xffff  }
0xbc: {  	v11 =	vmax.f32 v39, $0.0e+00;
	[tilespmem:s23+$0xFFFFFED0] =	vst v45;
	v39 =	vmax.f32 v50, $0.0e+00;
	v45 =	vld [tilespmem:s12+$0x9FD0];
	v50 =	vmax.f32 v60, $0.0e+00  }
0xbd: {  	v40 =	vmovc v30;
	[tilespmem:s23+$0x10] =	vst v28;
	v60 =	vld [tilespmem:s12+$0xC7D0];
	v30 =	vmax.f32 v0, $0.0e+00;
	v0 =	vmovc v31;
	v31 =	vmax.f32 v20, $0.0e+00;
	v20 =	vadd.f32 v18, v16  }
0xbe: {  	v46 =	vmax.f32 v46, $0.0e+00;
	[tilespmem:s23+$0xD0] =	vst v21;
	v21 =	vld [tilespmem:$0x1FE70]  }
0xbf: {  	[tilespmem:s23+$0x90] =	vst v46;
	v16 =	vld [tilespmem:s12+$0xC760];
	v41 =	vmax.f32 v20, $0.0e+00  }
0xc0: {  	[tilespmem:s26+$0x80] =	vst v41;
	v41 =	vmax.f32 v24, $0.0e+00;
	v24 =	vld [tilespmem:$0x1FE40]  }
0xc1: {  	v36 =	vmax.f32 v36, $0.0e+00;
	[tilespmem:s23+$0xFFFFFF80] =	vst v32;
	v18 =	vld [tilespmem:s12+$0x9F70]  }
0xc2: {  	[tilespmem:s23+$0xFFFFFEE0] =	vst v36;
	v36 =	vld [tilespmem:s12+$0xC7F0]  }
0xc3: {  	[tilespmem:s23+$0xFFFFFFE0] =	vst v1;
	v1 =	vld.idx.msk [tilespmem:v56+s2+$0x0], $0xffff  }
0xc4: {  	v43 =	vmax.f32 v43, $0.0e+00;
	[tilespmem:s23+$0x30] =	vst v7;
	v49 =	vmax.f32 v0, $0.0e+00;
	v0 =	vld [tilespmem:$0x1FF60]  }
0xc5: {  	[tilespmem:s23+$0x40] =	vst v43;
	v25 =	vmax.f32 v24, $0.0e+00;
	v24 =	vld [tilespmem:$0x1FE50]  }
0xc6: {  	[tilespmem:s23+$0xFFFFFFD0] =	vst v31;
	v31 =	vmax.f32 v57, $0.0e+00;
	v57 =	vld.idx.msk [tilespmem:v53+s16+$0x0], $0xffff  }
0xc7: {  	[tilespmem:s23+$0x140] =	vst v42;
	v20 =	vld [tilespmem:s12+$0xC770]  }
0xc8: {  	[tilespmem:s23+$0xFFFFFE70] =	vst v5;
	v5 =	vld.idx.msk [tilespmem:v56+s14+$0x0], $0xffff  }
0xc9: {  	[tilespmem:s23+$0xFFFFFFF0] =	vst v4;
	v4 =	vld.idx.msk [tilespmem:v54+s16+$0x0], $0xffff  }
0xca: {  	[tilespmem:s23+$0xFFFFFF50] =	vst v30;
	v27 =	vmax.f32 v24, $0.0e+00;
	v24 =	vld [tilespmem:$0x1FE60]  }
0xcb: {  	v28 =	vshll.u32 v22, $0x10;
	[tilespmem:s23+$0xFFFFFEF0] =	vst v38;
	v38 =	vld.idx.msk [tilespmem:v53+s15+$0x0], $0xffff;
	v32 =	vshll.u32 v1, $0x10  }
0xcc: {  	s13 =	sor.u32 $0x70, s29;
	v48 =	vmax.f32 v29, $0.0e+00;
	v3 =	vmax.f32 v3, $0.0e+00;
	[tilespmem:s23+$0xFFFFFE60] =	vst v33;
	v54 =	vld.idx.msk [tilespmem:v12+s15+$0x0], $0xffff;
	v28 =	vadd.f32 v28, v32  }
0xcd: {  	v40 =	vmax.f32 v40, $0.0e+00;
	v13 =	vmax.f32 v13, $0.0e+00;
	v22 =	vand.u32 $0xFFFF0000, v22;
	[tilespmem:s13+$0xF000] =	vst v3;
	v3 =	vld [tilespmem:$0x1FF80]  }
0xce: {  	v2 =	vmax.f32 v2, $0.0e+00;
	v30 =	vmax.f32 v62, $0.0e+00;
	v53 =	vand.u32 $0xFFFF0000, v19;
	[tilespmem:$0x1FED0] =	vst v28;
	v28 =	vld.idx.msk [tilespmem:v52+s14+$0x0], $0xffff  }
0xcf: {  	[tilespmem:s23+$0xFFFFFF60] =	vst v34;
	v56 =	vshll.u32 v5, $0x10;
	v46 =	vshll.u32 v4, $0x10;
	v29 =	vmax.f32 v24, $0.0e+00;
	v24 =	vld.idx.msk [tilespmem:v55+s2+$0x0], $0xffff  }
0xd0: {  	[tilespmem:s23+$0x190] =	vst v49;
	v1 =	vand.u32 $0xFFFF0000, v1;
	v0 =	vmax.f32 v0, $0.0e+00;
	v49 =	vadd.f32 v46, v56;
	v56 =	vld.idx.msk [tilespmem:v51+s16+$0x0], $0xffff  }
0xd1: {  	[tilespmem:s23+$0x120] =	vst v2;
	v1 =	vadd.f32 v22, v1;
	v5 =	vand.u32 $0xFFFF0000, v5;
	v4 =	vand.u32 $0xFFFF0000, v4;
	v42 =	vld.idx.msk [tilespmem:v16+s16+$0x0], $0xffff  }
0xd2: {  	[tilespmem:s23+$0xA0] =	vst v0;
	v0 =	vshll.u32 v57, $0x10;
	v4 =	vadd.f32 v4, v5;
	v46 =	vmovc v36;
	v36 =	vld.idx.msk [tilespmem:v16+s15+$0x0], $0xffff;
	v55 =	vshll.u32 v35, $0x10  }
0xd3: {  	v57 =	vand.u32 $0xFFFF0000, v57;
	v43 =	vand.u32 $0xFFFF0000, v54;
	[tilespmem:$0x1FEE0] =	vst v1;
	v32 =	vadd.f32 v0, v55;
	v55 =	vld.idx.msk [tilespmem:v12+s16+$0x0], $0xffff  }
0xd4: {  	v3 =	vmax.f32 v3, $0.0e+00;
	[tilespmem:$0x1FEF0] =	vst v4;
	v1 =	vshll.u32 v24, $0x10;
	v22 =	vand.u32 $0xFFFF0000, v24;
	v24 =	vld.idx.msk [tilespmem:v51+s15+$0x0], $0xffff  }
0xd5: {  	v33 =	vld [tilespmem:s12+$0xC7E0];
	v5 =	vand.u32 $0xFFFF0000, v38;
	v4 =	vshll.u32 v38, $0x10;
	[tilespmem:s23+$0x1A0] =	vst v3;
	v3 =	vand.u32 $0xFFFF0000, v28  }
0xd6: {  	[tilespmem:s23+$0xFFFFFF00] =	vst v41;
	v52 =	vshll.u32 v56, $0x10;
	v41 =	vadd.f32 v4, v1;
	v1 =	vld.idx.msk [tilespmem:v6+s14+$0x0], $0xffff;
	v2 =	vadd.f32 v5, v22  }
0xd7: {  	[tilespmem:s23+$0x130] =	vst v11;
	v11 =	vand.u32 $0xFFFF0000, v42;
	v7 =	vand.u32 $0xFFFF0000, v36;
	v35 =	vand.u32 $0xFFFF0000, v35;
	v5 =	vld.idx.msk [tilespmem:v8+s15+$0x0], $0xffff  }
0xd8: {  	v0 =	vshll.u32 v28, $0x10;
	v4 =	vand.u32 $0xFFFF0000, v44;
	[tilespmem:$0x1FF00] =	vst v2;
	v2 =	vshll.u32 v44, $0x10;
	v44 =	vld.idx.msk [tilespmem:v8+s16+$0x0], $0xffff  }
0xd9: {  	[tilespmem:s23+$0x110] =	vst v48;
	v34 =	vld [tilespmem:s12+$0x9FF0];
	v35 =	vadd.f32 v57, v35;
	v12 =	vshll.u32 v55, $0x10;
	v48 =	vshll.u32 v24, $0x10  }
0xda: {  	[tilespmem:s23+$0xC0] =	vst v15;
	v62 =	vld [tilespmem:s12+$0x9FE0];
	v51 =	vand.u32 $0xFFFF0000, v24;
	v24 =	vand.u32 $0xFFFF0000, v56;
	v38 =	vadd.f32 v48, v2  }
0xdb: {  	[tilespmem:s23+$0xFFFFFF70] =	vst v40;
	v22 =	vld.idx.msk [tilespmem:v10+s2+$0x0], $0xffff;
	v40 =	vadd.f32 v51, v4;
	v4 =	vshll.u32 v19, $0x10;
	v3 =	vadd.f32 v24, v3  }
0xdc: {  	[tilespmem:s23+$0xB0] =	vst v9;
	v2 =	vld.idx.msk [tilespmem:v10+s14+$0x0], $0xffff;
	v19 =	vadd.f32 v52, v0;
	v0 =	vshll.u32 v1, $0x10;
	v1 =	vand.u32 $0xFFFF0000, v1  }
0xdd: {  	v56 =	vld.idx.msk [tilespmem:v14+s2+$0x0], $0xffff;
	[tilespmem:$0x1FF10] =	vst v3;
	v3 =	vshll.u32 v5, $0x10;
	v5 =	vand.u32 $0xFFFF0000, v5;
	v6 =	vand.u32 $0xFFFF0000, v44  }
0xde: {  	[tilespmem:s25+$0xF000] =	vst v13;
	v48 =	vld.idx.msk [tilespmem:v20+s15+$0x0], $0xffff;
	v57 =	vshll.u32 v44, $0x10;
	v13 =	vadd.f32 v3, v4;
	v1 =	vadd.f32 v6, v1  }
0xdf: {  	[tilespmem:s23+$0x1C0] =	vst v17;
	v9 =	vand.u32 $0xFFFF0000, v55;
	v3 =	vld.idx.msk [tilespmem:v14+s14+$0x0], $0xffff;
	v15 =	vadd.f32 v5, v53;
	v0 =	vadd.f32 v57, v0  }
0xe0: {  	v44 =	vld.idx.msk [tilespmem:v18+s2+$0x0], $0xffff;
	v4 =	vshll.u32 v22, $0x10;
	v5 =	vand.u32 $0xFFFF0000, v22;
	[tilespmem:$0x1FF30] =	vst v1;
	v1 =	vshll.u32 v54, $0x10  }
0xe1: {  	v55 =	vld.idx.msk [tilespmem:v21+s2+$0x0], $0xffff;
	[tilespmem:$0x1FF20] =	vst v0;
	v0 =	vshll.u32 v2, $0x10;
	v17 =	vadd.f32 v1, v4;
	v4 =	vadd.f32 v43, v5  }
0xe2: {  	v51 =	vld.idx.msk [tilespmem:v20+s16+$0x0], $0xffff;
	v2 =	vand.u32 $0xFFFF0000, v2;
	v5 =	vand.u32 $0xFFFF0000, v56;
	v0 =	vadd.f32 v12, v0  }
0xe3: {  	v52 =	vld.idx.msk [tilespmem:v58+s2+$0x0], $0xffff;
	v20 =	vadd.f32 v9, v2;
	v2 =	vshll.u32 v36, $0x10;
	[tilespmem:$0x1FF40] =	vst v4;
	v4 =	vshll.u32 v56, $0x10  }
0xe4: {  	v53 =	vld.idx.msk [tilespmem:v59+s15+$0x0], $0xffff;
	[tilespmem:$0x1FF50] =	vst v0;
	v0 =	vshll.u32 v3, $0x10;
	v3 =	vand.u32 $0xFFFF0000, v3;
	v14 =	vadd.f32 v2, v4  }
0xe5: {  	v56 =	vld [tilespmem:$0x1FE80];
	v4 =	vshll.u32 v44, $0x10;
	v16 =	vadd.f32 v11, v3;
	v3 =	vshll.u32 v48, $0x10  }
0xe6: {  	v36 =	vadd.f32 v7, v5;
	v5 =	vand.u32 $0xFFFF0000, v44;
	v44 =	vadd.f32 v3, v4;
	v3 =	vld.idx.msk [tilespmem:v21+s14+$0x0], $0xffff  }
0xe7: {  	v21 =	vld [tilespmem:$0x1FE90]  }
0xe8: {  	v54 =	vld.idx.msk [tilespmem:v59+s16+$0x0], $0xffff  }
0xe9: {  	v1 =	vld.idx.msk [tilespmem:v18+s14+$0x0], $0xffff  }
0xea: {  	v59 =	vld [tilespmem:$0x1FEA0]  }
0xeb: {  	v12 =	vshll.u32 v42, $0x10;
	v42 =	vld [tilespmem:$0x1FEC0]  }
0xec: {  	v23 =	vmax.f32 v23, $0.0e+00;
	v2 =	vld.idx.msk [tilespmem:v58+s14+$0x0], $0xffff  }
0xed: {  	v61 =	vmax.f32 v61, $0.0e+00;
	[tilespmem:s23+$0x150] =	vst v23;
	v6 =	vand.u32 $0xFFFF0000, v48;
	v10 =	vand.u32 $0xFFFF0000, v51;
	v57 =	vld.idx.msk [tilespmem:v56+s15+$0x0], $0xffff  }
0xee: {  	[tilespmem:s23+$0x50] =	vst v39;
	v18 =	vadd.f32 v12, v0;
	v0 =	vshll.u32 v1, $0x10;
	v1 =	vand.u32 $0xFFFF0000, v1;
	v9 =	vld.idx.msk [tilespmem:v56+s16+$0x0], $0xffff  }
0xef: {  	[tilespmem:s23+$0x70] =	vst v30;
	v4 =	vshll.u32 v52, $0x10;
	v23 =	vadd.f32 v10, v1;
	v1 =	vshll.u32 v53, $0x10;
	v58 =	vld.idx.msk [tilespmem:v21+s2+$0x0], $0xffff  }
0xf0: {  	v63 =	vmax.f32 v63, $0.0e+00;
	[tilespmem:s23+$0x60] =	vst v27;
	v22 =	vadd.f32 v6, v5;
	v48 =	vadd.f32 v1, v4;
	v1 =	vld.idx.msk [tilespmem:v21+s14+$0x0], $0xffff  }
0xf1: {  	[tilespmem:s23+$0xE0] =	vst v29;
	v5 =	vand.u32 $0xFFFF0000, v52;
	v7 =	vand.u32 $0xFFFF0000, v53;
	v12 =	vshll.u32 v51, $0x10;
	v21 =	vld [tilespmem:$0x1FEB0]  }
0xf2: {  	[tilespmem:s22+$0xF000] =	vst v50;
	v24 =	vadd.f32 v7, v5;
	v5 =	vand.u32 $0xFFFF0000, v55;
	v8 =	vand.u32 $0xFFFF0000, v54  }
0xf3: {  	[tilespmem:s21+$0xF000] =	vst v61;
	v30 =	vadd.f32 v12, v0;
	v12 =	vshll.u32 v54, $0x10;
	v61 =	vld.idx.msk [tilespmem:v59+s15+$0x0], $0xffff;
	v0 =	vshll.u32 v2, $0x10  }
0xf4: {  	[tilespmem:s24+$0xF000] =	vst v25;
	v4 =	vshll.u32 v55, $0x10;
	v11 =	vld.idx.msk [tilespmem:v59+s16+$0x0], $0xffff;
	v2 =	vand.u32 $0xFFFF0000, v2;
	v25 =	vadd.f32 v12, v0  }
0xf5: {  	v0 =	vshll.u32 v3, $0x10;
	v3 =	vand.u32 $0xFFFF0000, v3;
	v28 =	vadd.f32 v8, v2  }
0xf6: {  	v2 =	vshll.u32 v57, $0x10;
	v6 =	vand.u32 $0xFFFF0000, v57;
	v12 =	vshll.u32 v9, $0x10  }
0xf7: {  	[tilespmem:s23+$0x1F0] =	vst v26;
	v52 =	vld.idx.msk [tilespmem:v37+s16+$0x0], $0xffff;
	v9 =	vand.u32 $0xFFFF0000, v9;
	v26 =	vadd.f32 v2, v4;
	v27 =	vadd.f32 v6, v5  }
0xf8: {  	[tilespmem:s23+$0xF0] =	vst v31;
	v43 =	vld.idx.msk [tilespmem:v42+s15+$0x0], $0xffff;
	v7 =	vand.u32 $0xFFFF0000, v61;
	v29 =	vadd.f32 v12, v0;
	v31 =	vadd.f32 v9, v3  }
0xf9: {  	[tilespmem:s23+$0x170] =	vst v63;
	v3 =	vshll.u32 v61, $0x10;
	v12 =	vshll.u32 v11, $0x10;
	v11 =	vand.u32 $0xFFFF0000, v11;
	v63 =	vld.idx.msk [tilespmem:v21+s2+$0x0], $0xffff  }
0xfa: {  	v10 =	vld.idx.msk [tilespmem:v42+s16+$0x0], $0xffff;
	v4 =	vshll.u32 v58, $0x10;
	v5 =	vand.u32 $0xFFFF0000, v58;
	v0 =	vshll.u32 v1, $0x10  }
0xfb: {  	v1 =	vand.u32 $0xFFFF0000, v1;
	v39 =	vadd.f32 v3, v4;
	v4 =	vadd.f32 v7, v5;
	v2 =	vld.idx.msk [tilespmem:v21+s14+$0x0], $0xffff  }
0xfc: {  	v50 =	vld.idx.msk [tilespmem:v47+s2+$0x0], $0xffff;
	v1 =	vadd.f32 v11, v1  }
0xfd: {  	v51 =	vld.idx.msk [tilespmem:v37+s15+$0x0], $0xffff;
	v8 =	vand.u32 $0xFFFF0000, v52;
	[tilespmem:$0x1FF60] =	vst v4  }
0xfe: {  	v53 =	vld.idx.msk [tilespmem:v45+s2+$0x0], $0xffff;
	v0 =	vadd.f32 v12, v0;
	[tilespmem:$0x1FF80] =	vst v1;
	v1 =	vshll.u32 v43, $0x10;
	v4 =	vshll.u32 v63, $0x10  }
0xff: {  	v6 =	vand.u32 $0xFFFF0000, v43;
	v3 =	vld.idx.msk [tilespmem:v47+s14+$0x0], $0xffff;
	v5 =	vand.u32 $0xFFFF0000, v63;
	v1 =	vadd.f32 v1, v4  }
0x100: {  	v61 =	vld.idx.msk [tilespmem:v60+s15+$0x0], $0xffff;
	v12 =	vshll.u32 v10, $0x10;
	[tilespmem:$0x1FF70] =	vst v0;
	v0 =	vshll.u32 v2, $0x10;
	v4 =	vadd.f32 v6, v5  }
0x101: {  	v10 =	vand.u32 $0xFFFF0000, v10;
	v2 =	vand.u32 $0xFFFF0000, v2;
	v63 =	vld.idx.msk [tilespmem:v60+s16+$0x0], $0xffff;
	v0 =	vadd.f32 v12, v0;
	[tilespmem:$0x1FF90] =	vst v1  }
0x102: {  	v7 =	vand.u32 $0xFFFF0000, v51;
	v5 =	vand.u32 $0xFFFF0000, v50;
	v2 =	vadd.f32 v10, v2;
	v10 =	vld.idx.msk [tilespmem:v62+s2+$0x0], $0xffff;
	[tilespmem:$0x1FFA0] =	vst v4  }
0x103: {  	s28 =	sadd.s32 $0x10, s28;
	v12 =	vshll.u32 v52, $0x10;
	v42 =	vadd.f32 v7, v5;
	v1 =	vld.idx.msk [tilespmem:v45+s14+$0x0], $0xffff;
	v4 =	vshll.u32 v50, $0x10;
	[tilespmem:$0x1FFB0] =	vst v0  }
0x104: {  	p0 =	slt.u32 s28, $0x130;
	v54 =	vld.idx.msk [tilespmem:v33+s16+$0x0], $0xffff;
	v0 =	vshll.u32 v3, $0x10;
	v3 =	vand.u32 $0xFFFF0000, v3;
	[tilespmem:$0x1FFC0] =	vst v2;
	v2 =	vshll.u32 v51, $0x10  }
.Ltmp0:
0x105: {  	s0 =	sadd.s32 $0xFFFFFEC0, s29;
	v55 =	vld.idx.msk [tilespmem:v34+s14+$0x0], $0xffff;
	v43 =	vadd.f32 v2, v4;
	v2 =	vshll.u32 v53, $0x10;
	v4 =	vand.u32 $0xFFFF0000, v53;
	(pc) =	sbr.rel @p0 .LBB2_2-.Ltmp0, $4  }
0x106: {  	s1 =	sadd.s32 $0xFFFFFF40, s29;
	s30 =	sadd.s32 $0xFFFFFF80, s29;
	s29 =	sadd.s32 $0x400, s29;
	v56 =	vld.idx.msk [tilespmem:v62+s14+$0x0], $0xffff;
	v47 =	vadd.f32 v12, v0;
	v37 =	vadd.f32 v8, v3;
	v0 =	vshll.u32 v61, $0x10  }
0x107: {  	s0 =	sor.u32 $0x1A0, s0;
	s1 =	sor.u32 $0x1C0, s1;
	s31 =	sor.u32 $0x50, s30;
	v52 =	vld.idx.msk [tilespmem:v34+s2+$0x0], $0xffff;
	v3 =	vshll.u32 v63, $0x10;
	v50 =	vadd.f32 v0, v2;
	v59 =	vshll.u32 v10, $0x10  }
0x108: {  	s30 =	sor.u32 $0x1D0, s30;
	s25 =	smov.u32 s0;
	s24 =	smov.u32 s1;
	v51 =	vld.idx.msk [tilespmem:v46+s15+$0x0], $0xffff;
	v57 =	vshll.u32 v1, $0x10;
	v58 =	vand.u32 $0xFFFF0000, v1;
	v1 =	vand.u32 $0xFFFF0000, v61  }
0x109: {  	s23 =	smov.u32 s26;
	s22 =	smov.u32 s31;
	s21 =	smov.u32 s30;
	v53 =	vld.idx.msk [tilespmem:v33+s15+$0x0], $0xffff;
	v60 =	vand.u32 $0xFFFF0000, v10;
	v61 =	vand.u32 $0xFFFF0000, v63;
	v21 =	vadd.f32 v1, v4  }
0x10a: {  	v0 =	vld [tilespmem:$0x1FED0];
	_ =	sdelay $0x4  }
0x10b: {  	v0 =	vmax.f32 v0, $0.0e+00  }
0x10c: {  	[tilespmem:s26+$0xFFFFFE10] =	vst v0  }
0x10d: {  	v0 =	vld [tilespmem:$0x1FEE0];
	_ =	sdelay $0x4  }
0x10e: {  	v0 =	vmax.f32 v0, $0.0e+00  }
0x10f: {  	[tilespmem:s26+$0xFFFFFE90] =	vst v0  }
0x110: {  	v0 =	vld [tilespmem:$0x1FEF0];
	_ =	sdelay $0x3  }
0x111: {  	v1 =	vmax.f32 v49, $0.0e+00  }
0x112: {  	[tilespmem:s26+$0xFFFFFF10] =	vst v1;
	v0 =	vmax.f32 v0, $0.0e+00  }
0x113: {  	[tilespmem:s26+$0xFFFFFF90] =	vst v0  }
0x114: {  	v0 =	vld [tilespmem:$0x1FF00];
	_ =	sdelay $0x1  }
0x115: {  	v1 =	vmax.f32 v41, $0.0e+00  }
0x116: {  	[tilespmem:s26+$0xFFFFFE20] =	vst v1;
	v1 =	vmax.f32 v32, $0.0e+00  }
0x117: {  	[tilespmem:s26+$0xFFFFFF20] =	vst v1;
	v1 =	vmax.f32 v38, $0.0e+00  }
0x118: {  	[tilespmem:s26+$0xFFFFFE30] =	vst v1;
	v0 =	vmax.f32 v0, $0.0e+00  }
0x119: {  	[tilespmem:s26+$0xFFFFFEA0] =	vst v0;
	v0 =	vmax.f32 v35, $0.0e+00  }
0x11a: {  	[tilespmem:s26+$0xFFFFFFA0] =	vst v0;
	v0 =	vmax.f32 v40, $0.0e+00  }
0x11b: {  	[tilespmem:s26+$0xFFFFFEB0] =	vst v0  }
0x11c: {  	v0 =	vld [tilespmem:$0x1FF10];
	_ =	sdelay $0x2  }
0x11d: {  	v1 =	vmax.f32 v19, $0.0e+00  }
0x11e: {  	[tilespmem:s26+$0xFFFFFF30] =	vst v1;
	v1 =	vmax.f32 v13, $0.0e+00  }
0x11f: {  	[tilespmem:s23+$0xFFFFFE40] =	vst v1;
	v0 =	vmax.f32 v0, $0.0e+00  }
0x120: {  	[tilespmem:s23+$0xFFFFFFB0] =	vst v0;
	v0 =	vmax.f32 v15, $0.0e+00  }
0x121: {  	v1 =	vld [tilespmem:$0x1FF20];
	[tilespmem:s23+$0xFFFFFEC0] =	vst v0  }
0x122: {  	v0 =	vld [tilespmem:$0x1FF30];
	_ =	sdelay $0x3  }
0x123: {  	v1 =	vmax.f32 v1, $0.0e+00  }
0x124: {  	v0 =	vmax.f32 v0, $0.0e+00;
	[tilespmem:s23+$0xFFFFFF40] =	vst v1  }
0x125: {  	v1 =	vmax.f32 v17, $0.0e+00;
	[tilespmem:s23+$0xFFFFFFC0] =	vst v0  }
0x126: {  	v0 =	vld [tilespmem:$0x1FF40];
	[tilespmem:s23+$0xFFFFFE50] =	vst v1  }
0x127: {  	v1 =	vld [tilespmem:$0x1FF50];
	_ =	sdelay $0x3  }
0x128: {  	v0 =	vmax.f32 v0, $0.0e+00  }
0x129: {  	v1 =	vmax.f32 v1, $0.0e+00;
	[tilespmem:s23+$0xFFFFFED0] =	vst v0  }
0x12a: {  	v0 =	vmax.f32 v20, $0.0e+00;
	[tilespmem:s23+$0xFFFFFF50] =	vst v1  }
0x12b: {  	v1 =	vmax.f32 v14, $0.0e+00;
	[tilespmem:s23+$0xFFFFFFD0] =	vst v0  }
0x12c: {  	v0 =	vmax.f32 v36, $0.0e+00;
	[tilespmem:s23+$0xFFFFFE60] =	vst v1  }
0x12d: {  	v1 =	vmax.f32 v18, $0.0e+00;
	[tilespmem:s23+$0xFFFFFEE0] =	vst v0  }
0x12e: {  	v0 =	vmax.f32 v16, $0.0e+00;
	[tilespmem:s23+$0xFFFFFF60] =	vst v1  }
0x12f: {  	v1 =	vmax.f32 v44, $0.0e+00;
	[tilespmem:s23+$0xFFFFFFE0] =	vst v0  }
0x130: {  	v0 =	vmax.f32 v22, $0.0e+00;
	[tilespmem:s23+$0xFFFFFE70] =	vst v1  }
0x131: {  	v1 =	vmax.f32 v30, $0.0e+00;
	[tilespmem:s23+$0xFFFFFEF0] =	vst v0  }
0x132: {  	v0 =	vmax.f32 v23, $0.0e+00;
	[tilespmem:s23+$0xFFFFFF70] =	vst v1  }
0x133: {  	v1 =	vmax.f32 v48, $0.0e+00;
	[tilespmem:s23+$0xFFFFFFF0] =	vst v0  }
0x134: {  	v0 =	vmax.f32 v24, $0.0e+00;
	[tilespmem:s23+$0xFFFFFE80] =	vst v1  }
0x135: {  	v1 =	vmax.f32 v25, $0.0e+00;
	[tilespmem:s23+$0xFFFFFF00] =	vst v0  }
0x136: {  	v0 =	vmax.f32 v28, $0.0e+00;
	[tilespmem:s23+$0xFFFFFF80] =	vst v1  }
0x137: {  	v1 =	vmax.f32 v26, $0.0e+00;
	[tilespmem:s23+$0x0] =	vst v0  }
0x138: {  	v0 =	vmax.f32 v27, $0.0e+00;
	[tilespmem:s23+$0x10] =	vst v1  }
0x139: {  	v1 =	vmax.f32 v29, $0.0e+00;
	[tilespmem:s23+$0x90] =	vst v0  }
0x13a: {  	v0 =	vmax.f32 v31, $0.0e+00;
	[tilespmem:s23+$0x110] =	vst v1  }
0x13b: {  	v1 =	vmax.f32 v39, $0.0e+00;
	[tilespmem:s23+$0x190] =	vst v0  }
0x13c: {  	v0 =	vld [tilespmem:$0x1FF60];
	[tilespmem:s23+$0x20] =	vst v1  }
0x13d: {  	v1 =	vld [tilespmem:$0x1FF70];
	_ =	sdelay $0x3  }
0x13e: {  	v0 =	vmax.f32 v0, $0.0e+00  }
0x13f: {  	v1 =	vmax.f32 v1, $0.0e+00;
	[tilespmem:s23+$0xA0] =	vst v0  }
0x140: {  	v0 =	vld [tilespmem:$0x1FF80];
	[tilespmem:s23+$0x120] =	vst v1  }
0x141: {  	v1 =	vld [tilespmem:$0x1FF90];
	_ =	sdelay $0x3  }
0x142: {  	v0 =	vmax.f32 v0, $0.0e+00  }
0x143: {  	v1 =	vmax.f32 v1, $0.0e+00;
	[tilespmem:s23+$0x1A0] =	vst v0  }
0x144: {  	v0 =	vld [tilespmem:$0x1FFA0];
	[tilespmem:s23+$0x30] =	vst v1  }
0x145: {  	v1 =	vld [tilespmem:$0x1FFB0];
	_ =	sdelay $0x3  }
0x146: {  	v0 =	vmax.f32 v0, $0.0e+00  }
0x147: {  	v1 =	vmax.f32 v1, $0.0e+00;
	[tilespmem:s23+$0xB0] =	vst v0  }
0x148: {  	v2 =	vmax.f32 v42, $0.0e+00;
	v0 =	vld [tilespmem:$0x1FFC0];
	[tilespmem:s23+$0x130] =	vst v1  }
0x149: {  	v4 =	vmax.f32 v47, $0.0e+00;
	[tilespmem:s23+$0xC0] =	vst v2  }
0x14a: {  	v6 =	vmax.f32 v37, $0.0e+00;
	v5 =	vshll.u32 v53, $0x10;
	[tilespmem:s23+$0x140] =	vst v4  }
0x14b: {  	v7 =	vshll.u32 v54, $0x10;
	v8 =	vmax.f32 v50, $0.0e+00;
	v5 =	vadd.f32 v5, v59;
	[tilespmem:s23+$0x1C0] =	vst v6  }
0x14c: {  	v54 =	vand.u32 $0xFFFF0000, v54;
	v9 =	vmax.f32 v21, $0.0e+00;
	v10 =	vshll.u32 v52, $0x10;
	[tilespmem:s23+$0x50] =	vst v8  }
0x14d: {  	v5 =	vmax.f32 v5, $0.0e+00;
	v1 =	vmax.f32 v43, $0.0e+00;
	[tilespmem:s23+$0xD0] =	vst v9;
	v0 =	vmax.f32 v0, $0.0e+00  }
0x14e: {  	v2 =	vadd.f32 v61, v58;
	v4 =	vand.u32 $0xFFFF0000, v53;
	[tilespmem:s25+$0xF000] =	vst v0;
	v0 =	vadd.f32 v3, v57  }
0x14f: {  	[tilespmem:s23+$0x40] =	vst v1;
	v1 =	vshll.u32 v56, $0x10;
	v4 =	vadd.f32 v4, v60;
	v3 =	vand.u32 $0xFFFF0000, v56;
	v56 =	vld.idx.msk [tilespmem:v46+s16+$0x0], $0xffff  }
0x150: {  	v58 =	vand.u32 $0xFFFF0000, v55;
	[tilespmem:s23+$0x60] =	vst v5;
	v5 =	vand.u32 $0xFFFF0000, v51;
	v0 =	vmax.f32 v0, $0.0e+00  }
0x151: {  	v1 =	vadd.f32 v7, v1;
	v2 =	vmax.f32 v2, $0.0e+00;
	v4 =	vmax.f32 v4, $0.0e+00;
	[tilespmem:s23+$0x150] =	vst v0  }
0x152: {  	v57 =	vand.u32 $0xFFFF0000, v52;
	[tilespmem:s24+$0xF000] =	vst v2;
	v2 =	vadd.f32 v54, v3;
	v3 =	vshll.u32 v51, $0x10  }
0x153: {  	v1 =	vmax.f32 v1, $0.0e+00;
	[tilespmem:s23+$0xE0] =	vst v4;
	v5 =	vadd.f32 v5, v57;
	v3 =	vadd.f32 v3, v10  }
0x154: {  	[tilespmem:s22+$0xF000] =	vst v1;
	v0 =	vshll.u32 v55, $0x10;
	v4 =	vshll.u32 v56, $0x10;
	v2 =	vmax.f32 v2, $0.0e+00  }
0x155: {  	v1 =	vand.u32 $0xFFFF0000, v56;
	v0 =	vadd.f32 v4, v0;
	v3 =	vmax.f32 v3, $0.0e+00;
	[tilespmem:s21+$0xF000] =	vst v2  }
0x156: {  	v1 =	vadd.f32 v1, v58;
	v2 =	vmax.f32 v5, $0.0e+00;
	[tilespmem:s23+$0x70] =	vst v3  }
0x157: {  	v0 =	vmax.f32 v0, $0.0e+00;
	[tilespmem:s23+$0xF0] =	vst v2  }
0x158: {  	v1 =	vmax.f32 v1, $0.0e+00;
	[tilespmem:s23+$0x170] =	vst v0  }
0x159: {  	s0 =	simm.s32 $0x14F0;
	[tilespmem:s23+$0x1F0] =	vst v1  }
0x15a: {  	[hbm4b:s5+s2] =	stream.linear.scatter [tilespmem:s17], [sflag:$0x1], $0x5000, $0x38;
	[tilespmem:$0x19000] =	vst v63  }
0x15b: {  	v0 =	vld [tilespmem:s0+$0xA000]  }
0x15c: {  	v1 =	vld [tilespmem:s0+$0xC800]  }
0x15d: {  	v2 =	vld [tilespmem:s0+$0x9F10]  }
0x15e: {  	v4 =	vld [tilespmem:s0+$0xC710]  }
0x15f: {  	v5 =	vld [tilespmem:s0+$0x9F20]  }
0x160: {  	v59 =	vld [tilespmem:s0+$0xC720]  }
0x161: {  	v60 =	vld [tilespmem:s0+$0x9F30]  }
0x162: {  	v61 =	vld [tilespmem:s0+$0xC730]  }
0x163: {  	v12 =	vld [tilespmem:s0+$0x9F40]  }
0x164: {  	v13 =	vld [tilespmem:s0+$0xC740]  }
0x165: {  	v14 =	vld [tilespmem:s0+$0x9F50]  }
0x166: {  	v15 =	vld [tilespmem:s0+$0xC750]  }
0x167: {  	v16 =	vld [tilespmem:s0+$0x9F60]  }
0x168: {  	v17 =	vld [tilespmem:s0+$0xC760]  }
0x169: {  	v18 =	vld [tilespmem:s0+$0x9F70]  }
0x16a: {  	v20 =	vld [tilespmem:s0+$0xC770]  }
0x16b: {  	v3 =	vld [tilespmem:s0+$0x9F80]  }
0x16c: {  	v22 =	vld [tilespmem:s0+$0xC780]  }
0x16d: {  	v21 =	vld [tilespmem:s0+$0x9F90]  }
0x16e: {  	v26 =	vld [tilespmem:s0+$0xC790]  }
0x16f: {  	v28 =	vld [tilespmem:s0+$0x9FA0]  }
0x170: {  	v32 =	vld [tilespmem:s0+$0xC7A0]  }
0x171: {  	v34 =	vld [tilespmem:s0+$0x9FB0]  }
0x172: {  	v38 =	vld [tilespmem:s0+$0x9FC0]  }
0x173: {  	v40 =	vld [tilespmem:s0+$0xC7C0]  }
0x174: {  	v41 =	vld [tilespmem:s0+$0x9FD0]  }
0x175: {  	v51 =	vld [tilespmem:s0+$0xC7D0]  }
0x176: {  	v49 =	vld [tilespmem:s0+$0x9FE0]  }
0x177: {  	v19 =	vld [tilespmem:s0+$0x9FF0]  }
0x178: {  	v62 =	vld.idx.msk [tilespmem:v0+s2+$0x0], $0xffff  }
0x179: {  	v63 =	vld.idx.msk [tilespmem:v1+s15+$0x0], $0xffff  }
0x17a: {  	v11 =	vld.idx.msk [tilespmem:v0+s14+$0x0], $0xffff  }
0x17b: {  	v1 =	vld.idx.msk [tilespmem:v1+s16+$0x0], $0xffff  }
0x17c: {  	v50 =	vld [tilespmem:s0+$0xC7E0]  }
0x17d: {  	v0 =	vld [tilespmem:s0+$0xC7B0];
	[tilespmem:$0x1FE00] =	vst v19  }
0x17e: {  	v23 =	vld.idx.msk [tilespmem:v2+s2+$0x0], $0xffff  }
0x17f: {  	v2 =	vld.idx.msk [tilespmem:v2+s14+$0x0], $0xffff;
	v19 =	vshll.u32 v62, $0x10;
	v24 =	vshll.u32 v63, $0x10  }
0x180: {  	v25 =	vshll.u32 v11, $0x10;
	v27 =	vshll.u32 v1, $0x10;
	v19 =	vadd.f32 v24, v19;
	v24 =	vld.idx.msk [tilespmem:v4+s15+$0x0], $0xffff  }
0x181: {  	v46 =	vld [tilespmem:s0+$0xC7F0];
	v11 =	vand.u32 $0xFFFF0000, v11;
	v1 =	vand.u32 $0xFFFF0000, v1;
	v43 =	vadd.f32 v27, v25  }
0x182: {  	v48 =	vld.idx.msk [tilespmem:v5+s2+$0x0], $0xffff;
	v9 =	vand.u32 $0xFFFF0000, v62;
	v10 =	vand.u32 $0xFFFF0000, v63;
	v1 =	vadd.f32 v1, v11  }
0x183: {  	v5 =	vld.idx.msk [tilespmem:v5+s14+$0x0], $0xffff;
	v9 =	vadd.f32 v10, v9;
	v55 =	vand.u32 $0xFFFF0000, v23;
	v54 =	vmax.f32 v43, $0.0e+00  }
0x184: {  	v4 =	vld.idx.msk [tilespmem:v4+s16+$0x0], $0xffff;
	v47 =	vmax.f32 v19, $0.0e+00;
	v1 =	vmax.f32 v1, $0.0e+00;
	v19 =	vshll.u32 v2, $0x10;
	[tilespmem:$0x1FE10] =	vst v54  }
0x185: {  	[tilespmem:$0x1FE20] =	vst v1;
	v1 =	vshll.u32 v23, $0x10;
	v23 =	vand.u32 $0xFFFF0000, v2;
	v2 =	vshll.u32 v24, $0x10  }
0x186: {  	v52 =	vmax.f32 v9, $0.0e+00;
	v9 =	vld.idx.msk [tilespmem:v59+s15+$0x0], $0xffff;
	v1 =	vadd.f32 v2, v1  }
0x187: {  	v6 =	vld.idx.msk [tilespmem:v59+s16+$0x0], $0xffff;
	v24 =	vand.u32 $0xFFFF0000, v24  }
0x188: {  	v25 =	vld.idx.msk [tilespmem:v60+s2+$0x0], $0xffff;
	[tilespmem:$0x1FD00] =	vst v1;
	v1 =	vadd.f32 v24, v55  }
0x189: {  	v27 =	vshll.u32 v4, $0x10;
	v4 =	vand.u32 $0xFFFF0000, v4  }
0x18a: {  	v2 =	vadd.f32 v4, v23;
	v29 =	vld.idx.msk [tilespmem:v60+s14+$0x0], $0xffff;
	[tilespmem:$0x1FD10] =	vst v1  }
0x18b: {  	v57 =	vand.u32 $0xFFFF0000, v48;
	v59 =	vand.u32 $0xFFFF0000, v9;
	v58 =	vld.idx.msk [tilespmem:v61+s15+$0x0], $0xffff  }
0x18c: {  	v1 =	vadd.f32 v27, v19;
	v4 =	vadd.f32 v59, v57;
	v27 =	vld.idx.msk [tilespmem:v61+s16+$0x0], $0xffff;
	[tilespmem:$0x1FD20] =	vst v2  }
0x18d: {  	v23 =	vld.idx.msk [tilespmem:v12+s2+$0x0], $0xffff  }
0x18e: {  	v56 =	vshll.u32 v48, $0x10;
	v24 =	vand.u32 $0xFFFF0000, v5;
	v60 =	vshll.u32 v6, $0x10;
	v12 =	vld.idx.msk [tilespmem:v12+s14+$0x0], $0xffff;
	[tilespmem:$0x1FD30] =	vst v4  }
0x18f: {  	v30 =	vand.u32 $0xFFFF0000, v6;
	v19 =	vshll.u32 v5, $0x10;
	v5 =	vshll.u32 v9, $0x10;
	v31 =	vld.idx.msk [tilespmem:v13+s15+$0x0], $0xffff  }
0x190: {  	v2 =	vadd.f32 v5, v56;
	v61 =	vshll.u32 v25, $0x10;
	v25 =	vand.u32 $0xFFFF0000, v25;
	v13 =	vld.idx.msk [tilespmem:v13+s16+$0x0], $0xffff  }
0x191: {  	v5 =	vadd.f32 v30, v24;
	v4 =	vadd.f32 v60, v19;
	v19 =	vshll.u32 v29, $0x10  }
0x192: {  	v24 =	vld.idx.msk [tilespmem:v14+s2+$0x0], $0xffff;
	v29 =	vand.u32 $0xFFFF0000, v29;
	v30 =	vshll.u32 v27, $0x10;
	v27 =	vand.u32 $0xFFFF0000, v27  }
0x193: {  	v33 =	vld.idx.msk [tilespmem:v14+s14+$0x0], $0xffff;
	v62 =	vshll.u32 v58, $0x10;
	v11 =	vand.u32 $0xFFFF0000, v58;
	v48 =	vadd.f32 v27, v29  }
0x194: {  	v7 =	vadd.f32 v11, v25;
	v25 =	vld.idx.msk [tilespmem:v15+s15+$0x0], $0xffff;
	v63 =	vadd.f32 v30, v19;
	v19 =	vshll.u32 v12, $0x10  }
0x195: {  	v45 =	vld.idx.msk [tilespmem:v15+s16+$0x0], $0xffff;
	v15 =	vshll.u32 v31, $0x10;
	v27 =	vand.u32 $0xFFFF0000, v31;
	v31 =	vshll.u32 v13, $0x10;
	[tilespmem:$0x1FD40] =	vst v48  }
0x196: {  	v14 =	vshll.u32 v23, $0x10;
	v23 =	vand.u32 $0xFFFF0000, v23;
	v55 =	vadd.f32 v31, v19;
	v29 =	vld.idx.msk [tilespmem:v16+s2+$0x0], $0xffff  }
0x197: {  	v30 =	vand.u32 $0xFFFF0000, v12;
	v53 =	vand.u32 $0xFFFF0000, v13;
	v13 =	vadd.f32 v15, v14;
	v54 =	vld.idx.msk [tilespmem:v16+s14+$0x0], $0xffff  }
0x198: {  	v15 =	vadd.f32 v27, v23;
	v23 =	vshll.u32 v24, $0x10;
	v57 =	vadd.f32 v53, v30;
	v27 =	vld.idx.msk [tilespmem:v17+s15+$0x0], $0xffff;
	[tilespmem:$0x1FD50] =	vst v55  }
0x199: {  	v24 =	vand.u32 $0xFFFF0000, v24;
	v56 =	vld.idx.msk [tilespmem:v17+s16+$0x0], $0xffff;
	v17 =	vshll.u32 v25, $0x10;
	v25 =	vand.u32 $0xFFFF0000, v25  }
0x19a: {  	v58 =	vshll.u32 v45, $0x10;
	v19 =	vshll.u32 v33, $0x10;
	[tilespmem:$0x1FD60] =	vst v57;
	v60 =	vadd.f32 v25, v24  }
0x19b: {  	v6 =	vadd.f32 v62, v61;
	v61 =	vadd.f32 v58, v19;
	v30 =	vld.idx.msk [tilespmem:v18+s2+$0x0], $0xffff  }
0x19c: {  	v59 =	vld.idx.msk [tilespmem:v18+s14+$0x0], $0xffff;
	[tilespmem:$0x1FD70] =	vst v60  }
0x19d: {  	v35 =	vand.u32 $0xFFFF0000, v45;
	v31 =	vand.u32 $0xFFFF0000, v33;
	v25 =	vld.idx.msk [tilespmem:v20+s15+$0x0], $0xffff;
	[tilespmem:$0x1FD80] =	vst v61  }
0x19e: {  	v19 =	vmovc v63;
	v17 =	vadd.f32 v17, v23;
	v23 =	vshll.u32 v29, $0x10;
	v24 =	vand.u32 $0xFFFF0000, v29;
	v63 =	vld.idx.msk [tilespmem:v20+s16+$0x0], $0xffff  }
0x19f: {  	v29 =	vshll.u32 v54, $0x10;
	v62 =	vand.u32 $0xFFFF0000, v54;
	v20 =	vadd.f32 v35, v31;
	v48 =	vld.idx.msk [tilespmem:v3+s2+$0x0], $0xffff  }
0x1a0: {  	v31 =	vshll.u32 v27, $0x10;
	v27 =	vand.u32 $0xFFFF0000, v27;
	v57 =	vshll.u32 v56, $0x10;
	v3 =	vld.idx.msk [tilespmem:v3+s14+$0x0], $0xffff  }
0x1a1: {  	v33 =	vand.u32 $0xFFFF0000, v56;
	v58 =	vld.idx.msk [tilespmem:v22+s15+$0x0], $0xffff;
	v14 =	vadd.f32 v31, v23;
	v36 =	vadd.f32 v27, v24  }
0x1a2: {  	v55 =	vld.idx.msk [tilespmem:v26+s16+$0x0], $0xffff;
	v31 =	vshll.u32 v30, $0x10;
	v45 =	vand.u32 $0xFFFF0000, v30;
	v18 =	vadd.f32 v57, v29  }
0x1a3: {  	v29 =	vshll.u32 v59, $0x10;
	v42 =	vand.u32 $0xFFFF0000, v59;
	v16 =	vadd.f32 v33, v62  }
0x1a4: {  	v59 =	vld.idx.msk [tilespmem:v22+s16+$0x0], $0xffff;
	v22 =	vshll.u32 v25, $0x10;
	v25 =	vand.u32 $0xFFFF0000, v25;
	v61 =	vshll.u32 v63, $0x10  }
0x1a5: {  	v60 =	vld.idx.msk [tilespmem:v21+s2+$0x0], $0xffff;
	v39 =	vand.u32 $0xFFFF0000, v63;
	v44 =	vadd.f32 v22, v31;
	v22 =	vadd.f32 v25, v45  }
0x1a6: {  	v62 =	vld.idx.msk [tilespmem:v21+s14+$0x0], $0xffff;
	v31 =	vshll.u32 v48, $0x10;
	v35 =	vand.u32 $0xFFFF0000, v48;
	v63 =	vshll.u32 v3, $0x10  }
0x1a7: {  	v57 =	vld.idx.msk [tilespmem:v32+s15+$0x0], $0xffff;
	v3 =	vand.u32 $0xFFFF0000, v3;
	v10 =	vand.u32 $0xFFFF0000, v58;
	v8 =	vshll.u32 v55, $0x10  }
0x1a8: {  	v45 =	vld.idx.msk [tilespmem:v26+s15+$0x0], $0xffff;
	v55 =	vand.u32 $0xFFFF0000, v55;
	v30 =	vadd.f32 v61, v29;
	v23 =	vadd.f32 v39, v42  }
0x1a9: {  	v29 =	vshll.u32 v58, $0x10;
	v42 =	vld.idx.msk [tilespmem:v28+s2+$0x0], $0xffff;
	v11 =	vshll.u32 v59, $0x10;
	v43 =	vand.u32 $0xFFFF0000, v59  }
0x1aa: {  	v56 =	vld.idx.msk [tilespmem:v28+s14+$0x0], $0xffff;
	v24 =	vadd.f32 v10, v35;
	v35 =	vshll.u32 v60, $0x10;
	v39 =	vand.u32 $0xFFFF0000, v60  }
0x1ab: {  	v60 =	vshll.u32 v62, $0x10;
	v61 =	vand.u32 $0xFFFF0000, v62;
	v62 =	vld.idx.msk [tilespmem:v32+s16+$0x0], $0xffff;
	v48 =	vadd.f32 v29, v31  }
0x1ac: {  	v59 =	vld.idx.msk [tilespmem:v0+s16+$0x0], $0xffff;
	v33 =	vand.u32 $0xFFFF0000, v57;
	v25 =	vadd.f32 v11, v63;
	v28 =	vadd.f32 v43, v3  }
0x1ad: {  	v43 =	vld.idx.msk [tilespmem:v0+s15+$0x0], $0xffff;
	v31 =	vadd.f32 v55, v61;
	v0 =	vshll.u32 v57, $0x10;
	v63 =	vand.u32 $0xFFFF0000, v45  }
0x1ae: {  	v55 =	vld.idx.msk [tilespmem:v38+s2+$0x0], $0xffff;
	v27 =	vadd.f32 v63, v39;
	v10 =	vshll.u32 v42, $0x10;
	v42 =	vand.u32 $0xFFFF0000, v42  }
0x1af: {  	v3 =	vshll.u32 v45, $0x10;
	v45 =	vld.idx.msk [tilespmem:v34+s2+$0x0], $0xffff;
	v39 =	vadd.f32 v0, v10;
	v0 =	vadd.f32 v33, v42  }
0x1b0: {  	v11 =	vshll.u32 v56, $0x10;
	v26 =	vadd.f32 v3, v35;
	v3 =	vld.idx.msk [tilespmem:v34+s14+$0x0], $0xffff;
	v34 =	vshll.u32 v62, $0x10  }
0x1b1: {  	v29 =	vadd.f32 v8, v60;
	v60 =	vld.idx.msk [tilespmem:v38+s14+$0x0], $0xffff;
	[tilespmem:$0x1FD90] =	vst v0;
	v0 =	vadd.f32 v34, v11  }
0x1b2: {  	v56 =	vand.u32 $0xFFFF0000, v56;
	v54 =	vand.u32 $0xFFFF0000, v62  }
0x1b3: {  	v9 =	vld.idx.msk [tilespmem:v40+s15+$0x0], $0xffff;
	[tilespmem:$0x1FDA0] =	vst v0;
	v0 =	vadd.f32 v54, v56  }
0x1b4: {  	v33 =	vshll.u32 v43, $0x10;
	v8 =	vshll.u32 v45, $0x10  }
0x1b5: {  	v11 =	vld.idx.msk [tilespmem:v40+s16+$0x0], $0xffff;
	[tilespmem:$0x1FDB0] =	vst v0;
	v0 =	vadd.f32 v33, v8  }
0x1b6: {  	v43 =	vand.u32 $0xFFFF0000, v43;
	v45 =	vand.u32 $0xFFFF0000, v45  }
0x1b7: {  	v34 =	vld.idx.msk [tilespmem:v41+s2+$0x0], $0xffff;
	[tilespmem:$0x1FDC0] =	vst v0;
	v0 =	vadd.f32 v43, v45  }
0x1b8: {  	v37 =	vshll.u32 v59, $0x10;
	v10 =	vshll.u32 v3, $0x10  }
0x1b9: {  	v38 =	vmov v6;
	v6 =	vld.idx.msk [tilespmem:v41+s14+$0x0], $0xffff;
	[tilespmem:$0x1FDD0] =	vst v0;
	v0 =	vadd.f32 v37, v10  }
0x1ba: {  	v59 =	vand.u32 $0xFFFF0000, v59;
	v3 =	vand.u32 $0xFFFF0000, v3  }
0x1bb: {  	v62 =	vld.idx.msk [tilespmem:v51+s15+$0x0], $0xffff;
	[tilespmem:$0x1FDE0] =	vst v0;
	v0 =	vadd.f32 v59, v3;
	_ =	sdelay $0x1  }
0x1bc: {  	s26 =	simm.s32 $0x143E0;
	v63 =	vld.idx.msk [tilespmem:v51+s16+$0x0], $0xffff;
	[tilespmem:$0x1FDF0] =	vst v0  }
0x1bd: {  	[tilespmem:s26+$0xFFFFFE90] =	vst v47  }
0x1be: {  	[tilespmem:s26+$0xFFFFFF10] =	vst v52  }
0x1bf: {  	v0 =	vld [tilespmem:$0x1FE00];
	_ =	sdelay $0x3  }
0x1c0: {  	v41 =	vmov v2;
	v2 =	vld [tilespmem:$0x1FE10];
	_ =	sdelay $0x2  }
0x1c1: {  	v53 =	vand.u32 $0xFFFF0000, v9;
	v3 =	vshll.u32 v9, $0x10;
	v9 =	vld.idx.msk [tilespmem:v49+s2+$0x0], $0xffff  }
0x1c2: {  	v40 =	vmovc v7;
	v7 =	vshll.u32 v55, $0x10;
	v55 =	vand.u32 $0xFFFF0000, v55;
	v8 =	vshll.u32 v60, $0x10;
	v52 =	vld.idx.msk [tilespmem:v0+s2+$0x0], $0xffff  }
0x1c3: {  	v60 =	vand.u32 $0xFFFF0000, v60;
	v42 =	vadd.f32 v53, v55;
	v10 =	vand.u32 $0xFFFF0000, v11;
	[tilespmem:s26+$0xFFFFFF90] =	vst v2;
	v55 =	vld.idx.msk [tilespmem:v0+s14+$0x0], $0xffff  }
0x1c4: {  	v37 =	vadd.f32 v10, v60;
	v0 =	vld [tilespmem:$0x1FE20]  }
0x1c5: {  	v33 =	vand.u32 $0xFFFF0000, v34;
	v43 =	vadd.f32 v3, v7;
	v3 =	vshll.u32 v11, $0x10  }
0x1c6: {  	s30 =	simm.s32 $0x53C0;
	s1 =	simm.s32 $0x5280;
	s12 =	simm.s32 $0x5300;
	v11 =	vshll.u32 v34, $0x10;
	v57 =	vshll.u32 v6, $0x10;
	v58 =	vand.u32 $0xFFFF0000, v6;
	v56 =	vld.idx.msk [tilespmem:v49+s14+$0x0], $0xffff  }
0x1c7: {  	s31 =	simm.s32 $0x5340;
	s28 =	simm.s32 $0x140;
	s29 =	simm.s32 $0x57C0;
	v53 =	vld.idx.msk [tilespmem:v50+s15+$0x0], $0xffff;
	v47 =	vadd.f32 v3, v8;
	v34 =	vshll.u32 v62, $0x10;
	v45 =	vand.u32 $0xFFFF0000, v62  }
0x1c8: {  	s22 =	sor.u32 $0x50, s31;
	s25 =	sor.u32 $0x1A0, s1;
	s0 =	sor.u32 $0x70, s30;
	v32 =	vmovc v4;
	v54 =	vld.idx.msk [tilespmem:v50+s16+$0x0], $0xffff;
	v50 =	vadd.f32 v34, v11;
	v21 =	vadd.f32 v45, v33;
	v3 =	vshll.u32 v63, $0x10  }
0x1c9: {  	s24 =	sor.u32 $0x1C0, s12;
	s21 =	sor.u32 $0x1D0, s31;
	s23 =	simm.s32 $0x143E0;
	v35 =	vmovc v5;
	v49 =	vmovc v1;
	v51 =	vld.idx.msk [tilespmem:v46+s15+$0x0], $0xffff;
	v61 =	vand.u32 $0xFFFF0000, v63;
	v59 =	vshll.u32 v9, $0x10;
	v60 =	vand.u32 $0xFFFF0000, v9;
	[tilespmem:s0+$0xF000] =	vst v0  }
.LBB2_4:
0x1ca: {  	_ = 	snop  }
0x1cb: {  	v0 =	vadd.f32 v3, v57;
	_ =	sdelay $0x1  }
0x1cc: {  	[tilespmem:$0x1FC60] =	vst v0;
	v0 =	vadd.f32 v61, v58  }
0x1cd: {  	v11 =	vshll.u32 v53, $0x10  }
0x1ce: {  	[tilespmem:$0x1FC70] =	vst v0;
	v0 =	vadd.f32 v11, v59  }
0x1cf: {  	s12 =	sshra.s32 s29, $0x2;
	v63 =	vld.idx.msk [tilespmem:v46+s16+$0x0], $0xffff;
	v33 =	vand.u32 $0xFFFF0000, v53  }
0x1d0: {  	v4 =	vld [tilespmem:s12+$0xA000];
	[tilespmem:$0x1FC80] =	vst v0;
	v0 =	vadd.f32 v33, v60  }
0x1d1: {  	v5 =	vld [tilespmem:s12+$0xC800]  }
0x1d2: {  	[tilespmem:$0x1FC90] =	vst v0;
	v0 =	vld [tilespmem:$0x1FD00]  }
0x1d3: {  	v3 =	vshll.u32 v56, $0x10;
	v62 =	vand.u32 $0xFFFF0000, v56;
	v56 =	vld [tilespmem:s12+$0x9F10]  }
0x1d4: {  	v34 =	vshll.u32 v54, $0x10;
	v2 =	vand.u32 $0xFFFF0000, v54;
	v54 =	vld [tilespmem:s12+$0xC710]  }
0x1d5: {  	v1 =	vshll.u32 v52, $0x10;
	v53 =	vld [tilespmem:s12+$0xC720]  }
0x1d6: {  	v6 =	vand.u32 $0xFFFF0000, v52;
	v52 =	vld [tilespmem:s12+$0x9F30];
	v61 =	vadd.f32 v2, v62;
	v2 =	vshll.u32 v51, $0x10  }
0x1d7: {  	v62 =	vadd.f32 v2, v1;
	v1 =	vmax.f32 v0, $0.0e+00;
	v0 =	vld [tilespmem:$0x1FD10]  }
0x1d8: {  	v45 =	vand.u32 $0xFFFF0000, v51;
	v51 =	vld [tilespmem:s12+$0xC730]  }
0x1d9: {  	v10 =	vmax.f32 v32, $0.0e+00;
	v57 =	vadd.f32 v45, v6;
	v6 =	vld [tilespmem:s12+$0x9F40]  }
0x1da: {  	v7 =	vand.u32 $0xFFFF0000, v55;
	v60 =	vadd.f32 v34, v3;
	v3 =	vshll.u32 v55, $0x10;
	v55 =	vld [tilespmem:s12+$0x9F20]  }
0x1db: {  	v12 =	vmax.f32 v35, $0.0e+00;
	v8 =	vshll.u32 v63, $0x10;
	[tilespmem:s26+$0xFFFFFD30] =	vst v10;
	v10 =	vld [tilespmem:s12+$0x9F50]  }
0x1dc: {  	v9 =	vand.u32 $0xFFFF0000, v63;
	v63 =	vadd.f32 v8, v3;
	v3 =	vmax.f32 v0, $0.0e+00;
	v0 =	vld [tilespmem:$0x1FD20]  }
0x1dd: {  	[tilespmem:s26+$0xFFFFFDB0] =	vst v12;
	v12 =	vld [tilespmem:s12+$0xC750]  }
0x1de: {  	v33 =	vmax.f32 v14, $0.0e+00;
	v14 =	vld [tilespmem:s12+$0x9F60]  }
0x1df: {  	v58 =	vmax.f32 v41, $0.0e+00;
	v11 =	vld.idx.msk [tilespmem:v5+s15+$0x0], $0xffff  }
0x1e0: {  	[tilespmem:s26+$0xFFFFFC30] =	vst v58;
	v58 =	vld [tilespmem:s12+$0x9F80]  }
0x1e1: {  	[tilespmem:s26+$0xFFFFFCA0] =	vst v3;
	v3 =	vmax.f32 v0, $0.0e+00;
	v0 =	vld [tilespmem:$0x1FD30]  }
0x1e2: {  	v46 =	vmax.f32 v49, $0.0e+00;
	v49 =	vmov v22;
	v22 =	vadd.f32 v9, v7;
	v7 =	vld.idx.msk [tilespmem:v4+s2+$0x0], $0xffff  }
0x1e3: {  	v4 =	vld.idx.msk [tilespmem:v4+s14+$0x0], $0xffff  }
0x1e4: {  	[tilespmem:s26+$0xFFFFFD20] =	vst v46;
	v34 =	vmax.f32 v18, $0.0e+00;
	v5 =	vld.idx.msk [tilespmem:v5+s16+$0x0], $0xffff;
	v18 =	vshll.u32 v11, $0x10  }
0x1e5: {  	v8 =	vld [tilespmem:s12+$0xC740];
	v11 =	vand.u32 $0xFFFF0000, v11;
	[tilespmem:s26+$0xFFFFFC20] =	vst v1;
	v1 =	vmovc v13;
	v13 =	vmax.f32 v38, $0.0e+00;
	v38 =	vmovc v15;
	v15 =	vmax.f32 v19, $0.0e+00  }
0x1e6: {  	v32 =	vmovc v23;
	v19 =	vmax.f32 v1, $0.0e+00;
	v23 =	vmax.f32 v38, $0.0e+00;
	[tilespmem:s26+$0xFFFFFC40] =	vst v13;
	v59 =	vmax.f32 v0, $0.0e+00;
	v0 =	vld [tilespmem:$0x1FD40]  }
0x1e7: {  	v1 =	vmax.f32 v16, $0.0e+00;
	v16 =	vshll.u32 v7, $0x10;
	[tilespmem:s26+$0xFFFFFD40] =	vst v15;
	v38 =	vmax.f32 v49, $0.0e+00;
	v49 =	vld [tilespmem:s12+$0x9F90]  }
0x1e8: {  	v7 =	vand.u32 $0xFFFF0000, v7;
	v13 =	vshll.u32 v4, $0x10;
	v15 =	vld [tilespmem:s12+$0xC7B0];
	[tilespmem:s26+$0xFFFFFDA0] =	vst v3;
	v3 =	vmax.f32 v40, $0.0e+00  }
0x1e9: {  	v7 =	vadd.f32 v11, v7;
	v11 =	vld [tilespmem:$0x1FDC0];
	[tilespmem:s26+$0xFFFFFCC0] =	vst v3;
	v3 =	vand.u32 $0xFFFF0000, v4;
	v4 =	vshll.u32 v5, $0x10  }
0x1ea: {  	[tilespmem:s23+$0xFFFFFC50] =	vst v19;
	v19 =	vmax.f32 v39, $0.0e+00;
	v39 =	vld [tilespmem:s12+$0x9FB0];
	v4 =	vadd.f32 v4, v13  }
0x1eb: {  	v46 =	vmov v27;
	v27 =	vmov v17;
	[tilespmem:s23+$0xFFFFFCD0] =	vst v23;
	v17 =	vmax.f32 v0, $0.0e+00;
	v0 =	vld [tilespmem:$0x1FD50]  }
0x1ec: {  	v2 =	vmov v25;
	v23 =	vld [tilespmem:$0x1FC60];
	v4 =	vmax.f32 v4, $0.0e+00;
	[tilespmem:s26+$0xFFFFFCB0] =	vst v59;
	s26 =	sadd.s32 $0x400, s26  }
0x1ed: {  	[tilespmem:s26+$0xFFFFFF90] =	vst v4;
	v4 =	vmax.f32 v32, $0.0e+00;
	v32 =	vmax.f32 v2, $0.0e+00;
	v2 =	vld [tilespmem:s12+$0xC790]  }
0x1ee: {  	[tilespmem:$0x1FCF0] =	vst v15;
	v15 =	vmax.f32 v42, $0.0e+00;
	v42 =	vmax.f32 v47, $0.0e+00;
	v47 =	vld [tilespmem:s12+$0x9FC0]  }
0x1ef: {  	[tilespmem:$0x1FCE0] =	vst v39;
	v39 =	vld [tilespmem:$0x1FDD0]  }
0x1f0: {  	v25 =	vmax.f32 v0, $0.0e+00;
	v0 =	vld [tilespmem:$0x1FD60]  }
0x1f1: {  	v5 =	vand.u32 $0xFFFF0000, v5;
	v13 =	vld [tilespmem:$0x1FDF0]  }
0x1f2: {  	v27 =	vmax.f32 v27, $0.0e+00;
	v3 =	vadd.f32 v5, v3;
	v5 =	vmax.f32 v44, $0.0e+00;
	[tilespmem:$0x1FCB0] =	vst v2;
	v2 =	vld [tilespmem:s12+$0x9FA0]  }
0x1f3: {  	[tilespmem:s23+$0xFFFFFC60] =	vst v27;
	v44 =	vmax.f32 v28, $0.0e+00;
	v28 =	vmax.f32 v26, $0.0e+00;
	v26 =	vmax.f32 v22, $0.0e+00;
	v22 =	vld.idx.msk [tilespmem:v54+s15+$0x0], $0xffff  }
0x1f4: {  	v35 =	vmax.f32 v48, $0.0e+00;
	[tilespmem:$0x1FCA0] =	vst v49;
	v59 =	vld [tilespmem:s12+$0xC780]  }
0x1f5: {  	[tilespmem:s23+$0xFFFFFC90] =	vst v35;
	v9 =	vmax.f32 v0, $0.0e+00;
	v0 =	vld [tilespmem:$0x1FD70]  }
0x1f6: {  	[tilespmem:s23+$0xFFFFFE10] =	vst v44;
	v35 =	vld.idx.msk [tilespmem:v55+s14+$0x0], $0xffff  }
0x1f7: {  	[tilespmem:$0x1FCC0] =	vst v2;
	v2 =	vld [tilespmem:s12+$0xC7A0]  }
0x1f8: {  	[tilespmem:s23+$0xFFFFFDC0] =	vst v17;
	v17 =	vmax.f32 v37, $0.0e+00;
	v37 =	vld [tilespmem:s12+$0xC7C0]  }
0x1f9: {  	v7 =	vmax.f32 v7, $0.0e+00;
	[tilespmem:s23+$0xFFFFFDD0] =	vst v9;
	v9 =	vmax.f32 v39, $0.0e+00;
	v39 =	vld [tilespmem:$0x1FDE0]  }
0x1fa: {  	[tilespmem:s26+$0xFFFFFF10] =	vst v7;
	v45 =	vmax.f32 v0, $0.0e+00;
	v0 =	vld [tilespmem:$0x1FD80]  }
0x1fb: {  	v44 =	vld.idx.msk [tilespmem:v52+s2+$0x0], $0xffff;
	[tilespmem:s23+$0xFFFFFD50] =	vst v25  }
0x1fc: {  	[tilespmem:$0x1FCD0] =	vst v2;
	v2 =	vld [tilespmem:$0x1FDA0]  }
0x1fd: {  	v21 =	vmax.f32 v21, $0.0e+00;
	v7 =	vmax.f32 v11, $0.0e+00;
	[tilespmem:s23+$0xFFFFFE30] =	vst v19;
	v19 =	vld.idx.msk [tilespmem:v6+s2+$0x0], $0xffff  }
0x1fe: {  	v11 =	vmax.f32 v39, $0.0e+00;
	[tilespmem:s23+$0xFFFFFCE0] =	vst v45;
	v39 =	vmax.f32 v50, $0.0e+00;
	v45 =	vld [tilespmem:s12+$0x9FD0];
	v50 =	vmax.f32 v60, $0.0e+00  }
0x1ff: {  	v40 =	vmovc v30;
	[tilespmem:s23+$0xFFFFFE20] =	vst v28;
	v60 =	vld [tilespmem:s12+$0xC7D0];
	v30 =	vmax.f32 v0, $0.0e+00;
	v0 =	vmovc v31;
	v31 =	vmax.f32 v20, $0.0e+00;
	v20 =	vadd.f32 v18, v16  }
0x200: {  	v46 =	vmax.f32 v46, $0.0e+00;
	[tilespmem:s23+$0xFFFFFEE0] =	vst v21;
	v21 =	vld [tilespmem:$0x1FCA0]  }
0x201: {  	[tilespmem:s23+$0xFFFFFEA0] =	vst v46;
	v16 =	vld [tilespmem:s12+$0xC760];
	v41 =	vmax.f32 v20, $0.0e+00  }
0x202: {  	[tilespmem:s26+$0xFFFFFE90] =	vst v41;
	v41 =	vmax.f32 v24, $0.0e+00;
	v24 =	vld [tilespmem:$0x1FC70]  }
0x203: {  	v36 =	vmax.f32 v36, $0.0e+00;
	[tilespmem:s23+$0xFFFFFD90] =	vst v32;
	v18 =	vld [tilespmem:s12+$0x9F70]  }
0x204: {  	[tilespmem:s23+$0xFFFFFCF0] =	vst v36;
	v36 =	vld [tilespmem:s12+$0xC7F0]  }
0x205: {  	[tilespmem:s23+$0xFFFFFDF0] =	vst v1;
	v1 =	vld.idx.msk [tilespmem:v56+s2+$0x0], $0xffff  }
0x206: {  	v43 =	vmax.f32 v43, $0.0e+00;
	[tilespmem:s23+$0xFFFFFE40] =	vst v7;
	v49 =	vmax.f32 v0, $0.0e+00;
	v0 =	vld [tilespmem:$0x1FD90]  }
0x207: {  	[tilespmem:s23+$0xFFFFFE50] =	vst v43;
	v25 =	vmax.f32 v24, $0.0e+00;
	v24 =	vld [tilespmem:$0x1FC80]  }
0x208: {  	[tilespmem:s23+$0xFFFFFDE0] =	vst v31;
	v31 =	vmax.f32 v57, $0.0e+00;
	v57 =	vld.idx.msk [tilespmem:v53+s16+$0x0], $0xffff  }
0x209: {  	[tilespmem:s23+$0xFFFFFF50] =	vst v42;
	v20 =	vld [tilespmem:s12+$0xC770]  }
0x20a: {  	[tilespmem:s23+$0xFFFFFC80] =	vst v5;
	v5 =	vld.idx.msk [tilespmem:v56+s14+$0x0], $0xffff  }
0x20b: {  	[tilespmem:s23+$0xFFFFFE00] =	vst v4;
	v4 =	vld.idx.msk [tilespmem:v54+s16+$0x0], $0xffff  }
0x20c: {  	[tilespmem:s23+$0xFFFFFD60] =	vst v30;
	v27 =	vmax.f32 v24, $0.0e+00;
	v24 =	vld [tilespmem:$0x1FC90]  }
0x20d: {  	s13 =	sadd.s32 $0xFFFFFF80, s29;
	v28 =	vshll.u32 v22, $0x10;
	[tilespmem:s23+$0xFFFFFD00] =	vst v38;
	v38 =	vld.idx.msk [tilespmem:v53+s15+$0x0], $0xffff;
	v32 =	vshll.u32 v1, $0x10  }
0x20e: {  	v48 =	vmax.f32 v29, $0.0e+00;
	s31 =	sor.u32 $0x50, s13;
	s30 =	sor.u32 $0x1D0, s13;
	s13 =	sor.u32 $0x70, s29;
	v3 =	vmax.f32 v3, $0.0e+00;
	[tilespmem:s23+$0xFFFFFC70] =	vst v33;
	v54 =	vld.idx.msk [tilespmem:v12+s15+$0x0], $0xffff;
	v28 =	vadd.f32 v28, v32  }
0x20f: {  	v40 =	vmax.f32 v40, $0.0e+00;
	v13 =	vmax.f32 v13, $0.0e+00;
	v22 =	vand.u32 $0xFFFF0000, v22;
	[tilespmem:s13+$0xF000] =	vst v3;
	v3 =	vld [tilespmem:$0x1FDB0]  }
0x210: {  	v2 =	vmax.f32 v2, $0.0e+00;
	v30 =	vmax.f32 v62, $0.0e+00;
	v53 =	vand.u32 $0xFFFF0000, v19;
	[tilespmem:$0x1FD00] =	vst v28;
	v28 =	vld.idx.msk [tilespmem:v52+s14+$0x0], $0xffff  }
0x211: {  	[tilespmem:s23+$0xFFFFFD70] =	vst v34;
	v56 =	vshll.u32 v5, $0x10;
	v46 =	vshll.u32 v4, $0x10;
	v29 =	vmax.f32 v24, $0.0e+00;
	v24 =	vld.idx.msk [tilespmem:v55+s2+$0x0], $0xffff  }
0x212: {  	[tilespmem:s23+$0xFFFFFFA0] =	vst v49;
	v1 =	vand.u32 $0xFFFF0000, v1;
	v0 =	vmax.f32 v0, $0.0e+00;
	v49 =	vadd.f32 v46, v56;
	v56 =	vld.idx.msk [tilespmem:v51+s16+$0x0], $0xffff  }
0x213: {  	[tilespmem:s23+$0xFFFFFF30] =	vst v2;
	v1 =	vadd.f32 v22, v1;
	v5 =	vand.u32 $0xFFFF0000, v5;
	v4 =	vand.u32 $0xFFFF0000, v4;
	v42 =	vld.idx.msk [tilespmem:v16+s16+$0x0], $0xffff  }
0x214: {  	[tilespmem:s23+$0xFFFFFEB0] =	vst v0;
	v0 =	vshll.u32 v57, $0x10;
	v4 =	vadd.f32 v4, v5;
	v46 =	vmovc v36;
	v36 =	vld.idx.msk [tilespmem:v16+s15+$0x0], $0xffff;
	v55 =	vshll.u32 v35, $0x10  }
0x215: {  	v57 =	vand.u32 $0xFFFF0000, v57;
	v43 =	vand.u32 $0xFFFF0000, v54;
	[tilespmem:$0x1FD10] =	vst v1;
	v32 =	vadd.f32 v0, v55;
	v55 =	vld.idx.msk [tilespmem:v12+s16+$0x0], $0xffff  }
0x216: {  	v3 =	vmax.f32 v3, $0.0e+00;
	[tilespmem:$0x1FD20] =	vst v4;
	v1 =	vshll.u32 v24, $0x10;
	v22 =	vand.u32 $0xFFFF0000, v24;
	v24 =	vld.idx.msk [tilespmem:v51+s15+$0x0], $0xffff  }
0x217: {  	v33 =	vld [tilespmem:s12+$0xC7E0];
	v5 =	vand.u32 $0xFFFF0000, v38;
	v4 =	vshll.u32 v38, $0x10;
	[tilespmem:s23+$0xFFFFFFB0] =	vst v3;
	v3 =	vand.u32 $0xFFFF0000, v28  }
0x218: {  	[tilespmem:s23+$0xFFFFFD10] =	vst v41;
	v52 =	vshll.u32 v56, $0x10;
	v41 =	vadd.f32 v4, v1;
	v1 =	vld.idx.msk [tilespmem:v6+s14+$0x0], $0xffff;
	v2 =	vadd.f32 v5, v22  }
0x219: {  	[tilespmem:s23+$0xFFFFFF40] =	vst v11;
	v11 =	vand.u32 $0xFFFF0000, v42;
	v7 =	vand.u32 $0xFFFF0000, v36;
	v35 =	vand.u32 $0xFFFF0000, v35;
	v5 =	vld.idx.msk [tilespmem:v8+s15+$0x0], $0xffff  }
0x21a: {  	v0 =	vshll.u32 v28, $0x10;
	v4 =	vand.u32 $0xFFFF0000, v44;
	[tilespmem:$0x1FD30] =	vst v2;
	v2 =	vshll.u32 v44, $0x10;
	v44 =	vld.idx.msk [tilespmem:v8+s16+$0x0], $0xffff  }
0x21b: {  	[tilespmem:s23+$0xFFFFFF20] =	vst v48;
	v34 =	vld [tilespmem:s12+$0x9FF0];
	v35 =	vadd.f32 v57, v35;
	v12 =	vshll.u32 v55, $0x10;
	v48 =	vshll.u32 v24, $0x10  }
0x21c: {  	[tilespmem:s23+$0xFFFFFED0] =	vst v15;
	v62 =	vld [tilespmem:s12+$0x9FE0];
	v51 =	vand.u32 $0xFFFF0000, v24;
	v24 =	vand.u32 $0xFFFF0000, v56;
	v38 =	vadd.f32 v48, v2  }
0x21d: {  	[tilespmem:s23+$0xFFFFFD80] =	vst v40;
	v22 =	vld.idx.msk [tilespmem:v10+s2+$0x0], $0xffff;
	v40 =	vadd.f32 v51, v4;
	v4 =	vshll.u32 v19, $0x10;
	v3 =	vadd.f32 v24, v3  }
0x21e: {  	[tilespmem:s23+$0xFFFFFEC0] =	vst v9;
	v2 =	vld.idx.msk [tilespmem:v10+s14+$0x0], $0xffff;
	v19 =	vadd.f32 v52, v0;
	v0 =	vshll.u32 v1, $0x10;
	v1 =	vand.u32 $0xFFFF0000, v1  }
0x21f: {  	v56 =	vld.idx.msk [tilespmem:v14+s2+$0x0], $0xffff;
	[tilespmem:$0x1FD40] =	vst v3;
	v3 =	vshll.u32 v5, $0x10;
	v5 =	vand.u32 $0xFFFF0000, v5;
	v6 =	vand.u32 $0xFFFF0000, v44  }
0x220: {  	[tilespmem:s25+$0xF000] =	vst v13;
	v48 =	vld.idx.msk [tilespmem:v20+s15+$0x0], $0xffff;
	v57 =	vshll.u32 v44, $0x10;
	v13 =	vadd.f32 v3, v4;
	v1 =	vadd.f32 v6, v1  }
0x221: {  	[tilespmem:s23+$0xFFFFFFD0] =	vst v17;
	v9 =	vand.u32 $0xFFFF0000, v55;
	v3 =	vld.idx.msk [tilespmem:v14+s14+$0x0], $0xffff;
	v15 =	vadd.f32 v5, v53;
	v0 =	vadd.f32 v57, v0  }
0x222: {  	v44 =	vld.idx.msk [tilespmem:v18+s2+$0x0], $0xffff;
	v4 =	vshll.u32 v22, $0x10;
	v5 =	vand.u32 $0xFFFF0000, v22;
	[tilespmem:$0x1FD60] =	vst v1;
	v1 =	vshll.u32 v54, $0x10  }
0x223: {  	v55 =	vld.idx.msk [tilespmem:v21+s2+$0x0], $0xffff;
	[tilespmem:$0x1FD50] =	vst v0;
	v0 =	vshll.u32 v2, $0x10;
	v17 =	vadd.f32 v1, v4;
	v4 =	vadd.f32 v43, v5  }
0x224: {  	v51 =	vld.idx.msk [tilespmem:v20+s16+$0x0], $0xffff;
	v2 =	vand.u32 $0xFFFF0000, v2;
	v5 =	vand.u32 $0xFFFF0000, v56;
	v0 =	vadd.f32 v12, v0  }
0x225: {  	v52 =	vld.idx.msk [tilespmem:v58+s2+$0x0], $0xffff;
	v20 =	vadd.f32 v9, v2;
	v2 =	vshll.u32 v36, $0x10;
	[tilespmem:$0x1FD70] =	vst v4;
	v4 =	vshll.u32 v56, $0x10  }
0x226: {  	v53 =	vld.idx.msk [tilespmem:v59+s15+$0x0], $0xffff;
	[tilespmem:$0x1FD80] =	vst v0;
	v0 =	vshll.u32 v3, $0x10;
	v3 =	vand.u32 $0xFFFF0000, v3;
	v14 =	vadd.f32 v2, v4  }
0x227: {  	v56 =	vld [tilespmem:$0x1FCB0];
	v4 =	vshll.u32 v44, $0x10;
	v16 =	vadd.f32 v11, v3;
	v3 =	vshll.u32 v48, $0x10  }
0x228: {  	v36 =	vadd.f32 v7, v5;
	v5 =	vand.u32 $0xFFFF0000, v44;
	v44 =	vadd.f32 v3, v4;
	v3 =	vld.idx.msk [tilespmem:v21+s14+$0x0], $0xffff  }
0x229: {  	v21 =	vld [tilespmem:$0x1FCC0]  }
0x22a: {  	v54 =	vld.idx.msk [tilespmem:v59+s16+$0x0], $0xffff  }
0x22b: {  	v1 =	vld.idx.msk [tilespmem:v18+s14+$0x0], $0xffff  }
0x22c: {  	v59 =	vld [tilespmem:$0x1FCD0]  }
0x22d: {  	v12 =	vshll.u32 v42, $0x10;
	v42 =	vld [tilespmem:$0x1FCF0]  }
0x22e: {  	v23 =	vmax.f32 v23, $0.0e+00;
	v2 =	vld.idx.msk [tilespmem:v58+s14+$0x0], $0xffff  }
0x22f: {  	v61 =	vmax.f32 v61, $0.0e+00;
	[tilespmem:s23+$0xFFFFFF60] =	vst v23;
	v6 =	vand.u32 $0xFFFF0000, v48;
	v10 =	vand.u32 $0xFFFF0000, v51;
	v57 =	vld.idx.msk [tilespmem:v56+s15+$0x0], $0xffff  }
0x230: {  	[tilespmem:s23+$0xFFFFFE60] =	vst v39;
	v18 =	vadd.f32 v12, v0;
	v0 =	vshll.u32 v1, $0x10;
	v1 =	vand.u32 $0xFFFF0000, v1;
	v9 =	vld.idx.msk [tilespmem:v56+s16+$0x0], $0xffff  }
0x231: {  	[tilespmem:s23+$0xFFFFFE80] =	vst v30;
	v4 =	vshll.u32 v52, $0x10;
	v23 =	vadd.f32 v10, v1;
	v1 =	vshll.u32 v53, $0x10;
	v58 =	vld.idx.msk [tilespmem:v21+s2+$0x0], $0xffff  }
0x232: {  	v63 =	vmax.f32 v63, $0.0e+00;
	[tilespmem:s23+$0xFFFFFE70] =	vst v27;
	v22 =	vadd.f32 v6, v5;
	v48 =	vadd.f32 v1, v4;
	v1 =	vld.idx.msk [tilespmem:v21+s14+$0x0], $0xffff  }
0x233: {  	[tilespmem:s23+$0xFFFFFEF0] =	vst v29;
	v5 =	vand.u32 $0xFFFF0000, v52;
	v7 =	vand.u32 $0xFFFF0000, v53;
	v12 =	vshll.u32 v51, $0x10;
	v21 =	vld [tilespmem:$0x1FCE0]  }
0x234: {  	[tilespmem:s22+$0xF000] =	vst v50;
	v24 =	vadd.f32 v7, v5;
	v5 =	vand.u32 $0xFFFF0000, v55;
	v8 =	vand.u32 $0xFFFF0000, v54  }
0x235: {  	[tilespmem:s21+$0xF000] =	vst v61;
	v30 =	vadd.f32 v12, v0;
	v12 =	vshll.u32 v54, $0x10;
	v61 =	vld.idx.msk [tilespmem:v59+s15+$0x0], $0xffff;
	v0 =	vshll.u32 v2, $0x10  }
0x236: {  	[tilespmem:s24+$0xF000] =	vst v25;
	v4 =	vshll.u32 v55, $0x10;
	v11 =	vld.idx.msk [tilespmem:v59+s16+$0x0], $0xffff;
	v2 =	vand.u32 $0xFFFF0000, v2;
	v25 =	vadd.f32 v12, v0  }
0x237: {  	v0 =	vshll.u32 v3, $0x10;
	v3 =	vand.u32 $0xFFFF0000, v3;
	v28 =	vadd.f32 v8, v2  }
0x238: {  	v2 =	vshll.u32 v57, $0x10;
	v6 =	vand.u32 $0xFFFF0000, v57;
	v12 =	vshll.u32 v9, $0x10  }
0x239: {  	[tilespmem:s23+$0x0] =	vst v26;
	v52 =	vld.idx.msk [tilespmem:v37+s16+$0x0], $0xffff;
	v9 =	vand.u32 $0xFFFF0000, v9;
	v26 =	vadd.f32 v2, v4;
	v27 =	vadd.f32 v6, v5  }
0x23a: {  	[tilespmem:s23+$0xFFFFFF00] =	vst v31;
	v43 =	vld.idx.msk [tilespmem:v42+s15+$0x0], $0xffff;
	v7 =	vand.u32 $0xFFFF0000, v61;
	v29 =	vadd.f32 v12, v0;
	v31 =	vadd.f32 v9, v3  }
0x23b: {  	[tilespmem:s23+$0xFFFFFF80] =	vst v63;
	v3 =	vshll.u32 v61, $0x10;
	v12 =	vshll.u32 v11, $0x10;
	v11 =	vand.u32 $0xFFFF0000, v11;
	v63 =	vld.idx.msk [tilespmem:v21+s2+$0x0], $0xffff  }
0x23c: {  	v10 =	vld.idx.msk [tilespmem:v42+s16+$0x0], $0xffff;
	v4 =	vshll.u32 v58, $0x10;
	v5 =	vand.u32 $0xFFFF0000, v58;
	v0 =	vshll.u32 v1, $0x10  }
0x23d: {  	v1 =	vand.u32 $0xFFFF0000, v1;
	v39 =	vadd.f32 v3, v4;
	v4 =	vadd.f32 v7, v5;
	v2 =	vld.idx.msk [tilespmem:v21+s14+$0x0], $0xffff  }
0x23e: {  	v50 =	vld.idx.msk [tilespmem:v47+s2+$0x0], $0xffff;
	v1 =	vadd.f32 v11, v1  }
0x23f: {  	v51 =	vld.idx.msk [tilespmem:v37+s15+$0x0], $0xffff;
	v8 =	vand.u32 $0xFFFF0000, v52;
	[tilespmem:$0x1FD90] =	vst v4  }
0x240: {  	v53 =	vld.idx.msk [tilespmem:v45+s2+$0x0], $0xffff;
	v0 =	vadd.f32 v12, v0;
	[tilespmem:$0x1FDB0] =	vst v1;
	v1 =	vshll.u32 v43, $0x10;
	v4 =	vshll.u32 v63, $0x10  }
0x241: {  	v6 =	vand.u32 $0xFFFF0000, v43;
	v3 =	vld.idx.msk [tilespmem:v47+s14+$0x0], $0xffff;
	v5 =	vand.u32 $0xFFFF0000, v63;
	v1 =	vadd.f32 v1, v4  }
0x242: {  	v61 =	vld.idx.msk [tilespmem:v60+s15+$0x0], $0xffff;
	v12 =	vshll.u32 v10, $0x10;
	[tilespmem:$0x1FDA0] =	vst v0;
	v0 =	vshll.u32 v2, $0x10;
	v4 =	vadd.f32 v6, v5  }
0x243: {  	v10 =	vand.u32 $0xFFFF0000, v10;
	v2 =	vand.u32 $0xFFFF0000, v2;
	v63 =	vld.idx.msk [tilespmem:v60+s16+$0x0], $0xffff;
	v0 =	vadd.f32 v12, v0;
	[tilespmem:$0x1FDC0] =	vst v1  }
0x244: {  	v7 =	vand.u32 $0xFFFF0000, v51;
	v5 =	vand.u32 $0xFFFF0000, v50;
	v2 =	vadd.f32 v10, v2;
	v10 =	vld.idx.msk [tilespmem:v62+s2+$0x0], $0xffff;
	[tilespmem:$0x1FDD0] =	vst v4  }
0x245: {  	s28 =	sadd.s32 $0x10, s28;
	v12 =	vshll.u32 v52, $0x10;
	v42 =	vadd.f32 v7, v5;
	v1 =	vld.idx.msk [tilespmem:v45+s14+$0x0], $0xffff;
	v4 =	vshll.u32 v50, $0x10;
	[tilespmem:$0x1FDE0] =	vst v0  }
0x246: {  	p0 =	slt.u32 s28, $0x270;
	v54 =	vld.idx.msk [tilespmem:v33+s16+$0x0], $0xffff;
	v0 =	vshll.u32 v3, $0x10;
	v3 =	vand.u32 $0xFFFF0000, v3;
	[tilespmem:$0x1FDF0] =	vst v2;
	v2 =	vshll.u32 v51, $0x10  }
.Ltmp1:
0x247: {  	v55 =	vld.idx.msk [tilespmem:v34+s14+$0x0], $0xffff;
	v43 =	vadd.f32 v2, v4;
	v2 =	vshll.u32 v53, $0x10;
	v4 =	vand.u32 $0xFFFF0000, v53;
	(pc) =	sbr.rel @p0 .LBB2_4-.Ltmp1, $4  }
0x248: {  	s0 =	sadd.s32 $0xFFFFFEC0, s29;
	s1 =	sadd.s32 $0xFFFFFF40, s29;
	v56 =	vld.idx.msk [tilespmem:v62+s14+$0x0], $0xffff;
	v47 =	vadd.f32 v12, v0;
	v37 =	vadd.f32 v8, v3;
	v0 =	vshll.u32 v61, $0x10  }
0x249: {  	s0 =	sor.u32 $0x1A0, s0;
	s1 =	sor.u32 $0x1C0, s1;
	v52 =	vld.idx.msk [tilespmem:v34+s2+$0x0], $0xffff;
	v3 =	vshll.u32 v63, $0x10;
	v50 =	vadd.f32 v0, v2;
	v59 =	vshll.u32 v10, $0x10  }
0x24a: {  	s29 =	sadd.s32 $0x400, s29;
	s25 =	smov.u32 s0;
	s24 =	smov.u32 s1;
	v51 =	vld.idx.msk [tilespmem:v46+s15+$0x0], $0xffff;
	v57 =	vshll.u32 v1, $0x10;
	v58 =	vand.u32 $0xFFFF0000, v1;
	v1 =	vand.u32 $0xFFFF0000, v61  }
0x24b: {  	s23 =	smov.u32 s26;
	s22 =	smov.u32 s31;
	s21 =	smov.u32 s30;
	v53 =	vld.idx.msk [tilespmem:v33+s15+$0x0], $0xffff;
	v60 =	vand.u32 $0xFFFF0000, v10;
	v61 =	vand.u32 $0xFFFF0000, v63;
	v21 =	vadd.f32 v1, v4  }
0x24c: {  	v0 =	vld [tilespmem:$0x1FD00];
	_ =	sdelay $0x4  }
0x24d: {  	v0 =	vmax.f32 v0, $0.0e+00  }
0x24e: {  	[tilespmem:s26+$0xFFFFFC20] =	vst v0  }
0x24f: {  	v0 =	vld [tilespmem:$0x1FD10];
	_ =	sdelay $0x4  }
0x250: {  	v0 =	vmax.f32 v0, $0.0e+00  }
0x251: {  	[tilespmem:s26+$0xFFFFFCA0] =	vst v0  }
0x252: {  	v0 =	vld [tilespmem:$0x1FD20];
	_ =	sdelay $0x3  }
0x253: {  	v1 =	vmax.f32 v49, $0.0e+00  }
0x254: {  	[tilespmem:s26+$0xFFFFFD20] =	vst v1;
	v0 =	vmax.f32 v0, $0.0e+00  }
0x255: {  	[tilespmem:s26+$0xFFFFFDA0] =	vst v0  }
0x256: {  	v63 =	vmax.f32 v41, $0.0e+00;
	v0 =	vld [tilespmem:$0x1FD30]  }
0x257: {  	v4 =	vmax.f32 v32, $0.0e+00;
	[tilespmem:s26+$0xFFFFFC30] =	vst v63  }
0x258: {  	v5 =	vmax.f32 v35, $0.0e+00;
	[tilespmem:s26+$0xFFFFFD30] =	vst v4  }
0x259: {  	v6 =	vmax.f32 v38, $0.0e+00;
	[tilespmem:s26+$0xFFFFFDB0] =	vst v5  }
0x25a: {  	v7 =	vmax.f32 v40, $0.0e+00;
	[tilespmem:s26+$0xFFFFFC40] =	vst v6  }
0x25b: {  	[tilespmem:s26+$0xFFFFFCC0] =	vst v7;
	v0 =	vmax.f32 v0, $0.0e+00  }
0x25c: {  	[tilespmem:s26+$0xFFFFFCB0] =	vst v0  }
0x25d: {  	v0 =	vld [tilespmem:$0x1FD40];
	_ =	sdelay $0x2  }
0x25e: {  	v8 =	vmax.f32 v19, $0.0e+00  }
0x25f: {  	v9 =	vmax.f32 v13, $0.0e+00;
	[tilespmem:s26+$0xFFFFFD40] =	vst v8  }
0x260: {  	[tilespmem:s23+$0xFFFFFC50] =	vst v9;
	v0 =	vmax.f32 v0, $0.0e+00  }
0x261: {  	v10 =	vmax.f32 v15, $0.0e+00;
	[tilespmem:s23+$0xFFFFFDC0] =	vst v0  }
0x262: {  	v1 =	vld [tilespmem:$0x1FD50];
	[tilespmem:s23+$0xFFFFFCD0] =	vst v10  }
0x263: {  	v0 =	vld [tilespmem:$0x1FD60];
	_ =	sdelay $0x3  }
0x264: {  	v1 =	vmax.f32 v1, $0.0e+00  }
0x265: {  	v0 =	vmax.f32 v0, $0.0e+00;
	[tilespmem:s23+$0xFFFFFD50] =	vst v1  }
0x266: {  	v11 =	vmax.f32 v17, $0.0e+00;
	[tilespmem:s23+$0xFFFFFDD0] =	vst v0  }
0x267: {  	v12 =	vmax.f32 v20, $0.0e+00;
	v0 =	vld [tilespmem:$0x1FD70];
	[tilespmem:s23+$0xFFFFFC60] =	vst v11  }
0x268: {  	v13 =	vmax.f32 v14, $0.0e+00;
	v1 =	vld [tilespmem:$0x1FD80];
	[tilespmem:s23+$0xFFFFFDE0] =	vst v12  }
0x269: {  	v14 =	vmax.f32 v36, $0.0e+00;
	[tilespmem:s23+$0xFFFFFC70] =	vst v13  }
0x26a: {  	v15 =	vmax.f32 v18, $0.0e+00;
	[tilespmem:s23+$0xFFFFFCF0] =	vst v14  }
0x26b: {  	v17 =	vmax.f32 v16, $0.0e+00;
	[tilespmem:s23+$0xFFFFFD70] =	vst v15  }
0x26c: {  	v18 =	vmax.f32 v44, $0.0e+00;
	[tilespmem:s23+$0xFFFFFDF0] =	vst v17  }
0x26d: {  	v19 =	vmax.f32 v22, $0.0e+00;
	[tilespmem:s23+$0xFFFFFC80] =	vst v18  }
0x26e: {  	v20 =	vmax.f32 v30, $0.0e+00;
	[tilespmem:s23+$0xFFFFFD00] =	vst v19  }
0x26f: {  	v22 =	vmax.f32 v23, $0.0e+00;
	[tilespmem:s23+$0xFFFFFD80] =	vst v20  }
0x270: {  	v23 =	vmax.f32 v48, $0.0e+00;
	[tilespmem:s23+$0xFFFFFE00] =	vst v22  }
0x271: {  	v30 =	vmax.f32 v24, $0.0e+00;
	[tilespmem:s23+$0xFFFFFC90] =	vst v23  }
0x272: {  	v32 =	vmax.f32 v25, $0.0e+00;
	[tilespmem:s23+$0xFFFFFD10] =	vst v30  }
0x273: {  	v33 =	vmax.f32 v28, $0.0e+00;
	[tilespmem:s23+$0xFFFFFD90] =	vst v32  }
0x274: {  	v34 =	vmax.f32 v26, $0.0e+00;
	[tilespmem:s23+$0xFFFFFE10] =	vst v33  }
0x275: {  	v35 =	vmax.f32 v27, $0.0e+00;
	[tilespmem:s23+$0xFFFFFE20] =	vst v34  }
0x276: {  	v36 =	vmax.f32 v29, $0.0e+00;
	[tilespmem:s23+$0xFFFFFEA0] =	vst v35  }
0x277: {  	v38 =	vmax.f32 v31, $0.0e+00;
	[tilespmem:s23+$0xFFFFFF20] =	vst v36  }
0x278: {  	[tilespmem:s23+$0xFFFFFFA0] =	vst v38;
	v0 =	vmax.f32 v0, $0.0e+00  }
0x279: {  	v1 =	vmax.f32 v1, $0.0e+00;
	[tilespmem:s23+$0xFFFFFCE0] =	vst v0  }
0x27a: {  	v40 =	vmax.f32 v39, $0.0e+00;
	[tilespmem:s23+$0xFFFFFD60] =	vst v1  }
0x27b: {  	v0 =	vld [tilespmem:$0x1FD90];
	[tilespmem:s23+$0xFFFFFE30] =	vst v40  }
0x27c: {  	v1 =	vld [tilespmem:$0x1FDA0];
	_ =	sdelay $0x3  }
0x27d: {  	v0 =	vmax.f32 v0, $0.0e+00  }
0x27e: {  	v1 =	vmax.f32 v1, $0.0e+00;
	[tilespmem:s23+$0xFFFFFEB0] =	vst v0  }
0x27f: {  	v0 =	vld [tilespmem:$0x1FDB0];
	[tilespmem:s23+$0xFFFFFF30] =	vst v1  }
0x280: {  	v1 =	vld [tilespmem:$0x1FDC0];
	_ =	sdelay $0x3  }
0x281: {  	v0 =	vmax.f32 v0, $0.0e+00  }
0x282: {  	v1 =	vmax.f32 v1, $0.0e+00;
	[tilespmem:s23+$0xFFFFFFB0] =	vst v0  }
0x283: {  	v0 =	vld [tilespmem:$0x1FDD0];
	[tilespmem:s23+$0xFFFFFE40] =	vst v1  }
0x284: {  	v1 =	vld [tilespmem:$0x1FDE0];
	_ =	sdelay $0x3  }
0x285: {  	v0 =	vmax.f32 v0, $0.0e+00  }
0x286: {  	v1 =	vmax.f32 v1, $0.0e+00;
	[tilespmem:s23+$0xFFFFFEC0] =	vst v0  }
0x287: {  	v41 =	vmax.f32 v43, $0.0e+00;
	v0 =	vld [tilespmem:$0x1FDF0];
	[tilespmem:s23+$0xFFFFFF40] =	vst v1  }
0x288: {  	v43 =	vadd.f32 v3, v57;
	v2 =	vmax.f32 v42, $0.0e+00;
	v44 =	vshll.u32 v56, $0x10;
	[tilespmem:s23+$0xFFFFFE50] =	vst v41  }
0x289: {  	v49 =	vand.u32 $0xFFFF0000, v53;
	v4 =	vmax.f32 v47, $0.0e+00;
	v5 =	vshll.u32 v53, $0x10;
	[tilespmem:s23+$0xFFFFFED0] =	vst v2  }
0x28a: {  	v6 =	vmax.f32 v37, $0.0e+00;
	v7 =	vshll.u32 v54, $0x10;
	v5 =	vadd.f32 v5, v59;
	[tilespmem:s23+$0xFFFFFF50] =	vst v4  }
0x28b: {  	v59 =	vshll.u32 v51, $0x10;
	v8 =	vmax.f32 v50, $0.0e+00;
	v10 =	vshll.u32 v52, $0x10;
	[tilespmem:s23+$0xFFFFFFD0] =	vst v6  }
0x28c: {  	v53 =	vld.idx.msk [tilespmem:v46+s16+$0x0], $0xffff;
	v5 =	vmax.f32 v5, $0.0e+00;
	v9 =	vmax.f32 v21, $0.0e+00;
	v3 =	vadd.f32 v59, v10;
	[tilespmem:s23+$0xFFFFFE60] =	vst v8  }
0x28d: {  	v50 =	vand.u32 $0xFFFF0000, v54;
	v54 =	vand.u32 $0xFFFF0000, v52;
	v4 =	vadd.f32 v49, v60;
	[tilespmem:s23+$0xFFFFFEE0] =	vst v9  }
0x28e: {  	v3 =	vmax.f32 v3, $0.0e+00;
	v1 =	vadd.f32 v7, v44;
	[tilespmem:s23+$0xFFFFFE70] =	vst v5;
	v60 =	vand.u32 $0xFFFF0000, v51  }
0x28f: {  	[tilespmem:s23+$0xFFFFFE80] =	vst v3;
	v5 =	vadd.f32 v60, v54;
	v4 =	vmax.f32 v4, $0.0e+00  }
0x290: {  	v1 =	vmax.f32 v1, $0.0e+00;
	[tilespmem:s23+$0xFFFFFEF0] =	vst v4  }
0x291: {  	v57 =	vand.u32 $0xFFFF0000, v55;
	v62 =	vand.u32 $0xFFFF0000, v53;
	v63 =	vmax.f32 v5, $0.0e+00;
	[tilespmem:s22+$0xF000] =	vst v1  }
0x292: {  	v48 =	vadd.f32 v61, v58;
	v1 =	vadd.f32 v62, v57;
	[tilespmem:s23+$0xFFFFFF00] =	vst v63;
	v0 =	vmax.f32 v0, $0.0e+00  }
0x293: {  	v45 =	vand.u32 $0xFFFF0000, v56;
	v56 =	vshll.u32 v55, $0x10;
	[tilespmem:s25+$0xF000] =	vst v0;
	v0 =	vmax.f32 v43, $0.0e+00  }
0x294: {  	v61 =	vshll.u32 v53, $0x10;
	v58 =	vadd.f32 v50, v45;
	v1 =	vmax.f32 v1, $0.0e+00;
	[tilespmem:s23+$0xFFFFFF60] =	vst v0  }
0x295: {  	v2 =	vmax.f32 v48, $0.0e+00;
	v0 =	vadd.f32 v61, v56;
	[tilespmem:s23+$0x0] =	vst v1  }
0x296: {  	[tilespmem:s24+$0xF000] =	vst v2;
	v2 =	vmax.f32 v58, $0.0e+00  }
0x297: {  	[tilespmem:s21+$0xF000] =	vst v2;
	v0 =	vmax.f32 v0, $0.0e+00  }
0x298: {  	s20 =	sadd.s32 $0x1, s20;
	[tilespmem:s23+$0xFFFFFF80] =	vst v0  }
0x299: {  	[hbm4b:s7+s2] =	stream.linear.scatter [tilespmem:s18], [sflag:$0x1], $0x5000, $0x38;
	[tilespmem:$0x19000] =	vst v63  }
0x29a: {  	p0 =	sne.s32 s20, s8;
	_ =	swait.ge [sflag:s19], $0x5000  }
.Ltmp2:
0x29b: {  	[sflag:s19] =	ssyncset.done $0x0;
	(pc) =	sbr.rel @p0 .LBB2_1-.Ltmp2, $4  }
0x29c: {  	[sflag:s19] =	ssyncadd.s32 $0xFFFFB000  }
0x29d: {  	_ =	swait.ge [sflag:s19], $0x5000  }
0x29e: {  	[sflag:s19] =	ssyncset.done $0x0  }
0x29f: {  	[sflag:s19] =	ssyncadd.s32 $0xFFFFB000  }
0x2a0: {  	_ =	sfence.sel $0x180000  }
0x2a1: {  	[bflag:$0x0] =	sbarrier.arrive $0xFFFF  }
0x2a2: {  	_ =	strace $0x90000047  }
0x2a3: {  	s0 =	stileid.u32;
	[bflag:$0x2] =	sbarrier.arrive $0xFFFF  }
0x2a4: {  	p0 =	sne.s32 s0, $0x0;
	s0 =	rddreg [dreg:$0x3]  }
0x2a5: {  	s0 =	sadd.s32 @!p0 $0x100000, s0  }
0x2a6: {  	[sflag:s0] =	ssyncadd.tile.s32 @!p0 $0x1;
	_ =	shalt  }
.Lfunc_end2:
_tile_overlayer_lowered:
.L_overlay_start_2:
0x2a7: {  	(tag) =	ssettag $0x2  }
0x2a8: {  	s0 =	rddreg [dreg:$0x0];
	s2 =	stileid.u32  }
0x2a9: {  	s1 =	rddreg [dreg:$0x1];
	p0 =	sne.s32 s2, $0x0  }
0x2aa: {  	s3 =	rddreg [dreg:$0x2];
	[bflag:$0x3] =	sbarrier.arrive $0xFFFF;
	s2 =	simm.s32 @!p0 $0x1C02  }
0x2ab: {  	[timem:s3], [sflag:s2] =	dma.local @!p0 [hbm:s0], s1  }
0x2ac: {  	s0 =	simm.s32 @!p0 $0x2  }
0x2ad: {  	_ =	swait.ge @!p0 [sflag:s0], s1  }
0x2ae: {  	s1 =	ssub.s32 @!p0 $0x0, s1;
	[sflag:s0] =	ssyncset.done @!p0 $0x0  }
0x2af: {  	[sflag:s0] =	ssyncadd.s32 @!p0 s1  }
0x2b0: {  	[bflag:$0x3] =	sbarrier.arrive $0xFFFF  }
0x2b1: {  	_ =	shalt  }

</sc_bundles>
